<compile_context>
chip_gen: v7x
topology: tpu7x:2x2x1
jax: 0.10.2.dev20260603
libtpu: 0.0.44.dev20260713+nightly
codegen_flags: <defaults>
</compile_context>

<pallas_src>
import functools

import jax
import jax.numpy as jnp
from jax import lax
from jax.experimental import pallas as pl
from jax.experimental.pallas import tpu as pltpu
from jax.experimental.pallas import tpu_sc as plsc

N_NODES = 100000
N_LINKS = 3200000

GRAVITY = 9.81
WATER_DENSITY = 1000.0
ICE_DENSITY = 917.0
LATENT_HEAT = 335000.0
STEP_HEIGHT = 0.1
ICE_FLUIDITY = 6e-24
GLENS_N = 3
MELT_CONSTANT = 1.0 / (ICE_DENSITY * LATENT_HEAT)
CLOSURE_CONSTANT = 2.0 * ICE_FLUIDITY * GLENS_N ** (-GLENS_N)
PHI_COEFF = WATER_DENSITY * GRAVITY

NC = 2
NS = 16
NW = NC * NS
L = 16

LINKS_PER_W = N_LINKS // NW
CHUNK = 2000
NCHUNK = LINKS_PER_W // CHUNK
CHUNK3 = 2000
NCHUNK3 = LINKS_PER_W // CHUNK3

_mesh = plsc.VectorSubcoreMesh(core_axis_name="c", subcore_axis_name="s")
_sc_params = pltpu.CompilerParams(needs_layout_passes=False)


def _worker_id():
    return lax.axis_index("s") * NC + lax.axis_index("c")


@functools.partial(
    pl.kernel,
    out_type=jax.ShapeDtypeStruct((NW, N_NODES), jnp.float32),
    mesh=_mesh,
    compiler_params=_sc_params,
    scratch_types=(
        [pltpu.VMEM((N_NODES,), jnp.float32)]
        + [pltpu.VMEM((CHUNK,), jnp.int32)] * 10
        + [pltpu.VMEM((CHUNK,), jnp.float32)] * 5
        + [pltpu.SemaphoreType.DMA] * 5
    ),
)
def _k1(head_hbm, tail_hbm, flux_hbm, part_hbm, node_buf, *scr):
    wid = _worker_id()
    base = wid * LINKS_PER_W
    S = 5
    hb = scr[0:S]
    tb = scr[S:2 * S]
    qb = scr[2 * S:3 * S]
    isems = scr[3 * S:4 * S]

    def in3(i, b):
        off = base + i * CHUNK
        for hbm, buf in ((head_hbm, hb[b]), (tail_hbm, tb[b]),
                         (flux_hbm, qb[b])):
            pltpu.async_copy(hbm.at[pl.ds(off, CHUNK)], buf, isems[b])

    def wait_in3(i, b):
        off = base + i * CHUNK
        for hbm, buf in ((head_hbm, hb[b]), (tail_hbm, tb[b]),
                         (flux_hbm, qb[b])):
            pltpu.make_async_copy(hbm.at[pl.ds(off, CHUNK)], buf,
                                  isems[b]).wait()

    for j in range(S - 1):
        in3(j, j)
    zeros = jnp.zeros((L,), jnp.float32)

    @plsc.parallel_loop(0, N_NODES, step=L, unroll=5)
    def zero(o):
        node_buf[pl.ds(o, L)] = zeros

    def chunk_scatter(k, carry):
        for b in range(S):
            i = S * k + b
            nxt = i + S - 1

            @pl.when(nxt < NCHUNK)
            def _():
                in3(nxt, (b + S - 1) % S)

            wait_in3(i, b)

            @plsc.parallel_loop(0, CHUNK, step=L, unroll=5)
            def vec(o):
                sl = pl.ds(o, L)
                h = hb[b][sl]
                t = tb[b][sl]
                q = qb[b][sl]
                plsc.addupdate_scatter(node_buf, [h], q)
                plsc.addupdate_scatter(node_buf, [t], -q)

        return carry

    lax.fori_loop(0, NCHUNK // S, chunk_scatter, 0)
    pltpu.sync_copy(node_buf, part_hbm.at[wid])


def _pack_body(p_ref, m_ref, b_ref, w_ref, z_ref):
    nb = jnp.sum(p_ref[...], axis=0) + m_ref[...]
    phi = PHI_COEFF * b_ref[...] + w_ref[...]
    phi_u = lax.bitcast_convert_type(
        phi.astype(jnp.bfloat16), jnp.uint16).astype(jnp.uint32)
    psi_u = lax.bitcast_convert_type(
        (0.5 * nb).astype(jnp.bfloat16), jnp.uint16).astype(jnp.uint32)
    z_ref[...] = ((phi_u << 16) | psi_u).astype(jnp.int32)


def _pack_tc(partials, meltwater, bedrock, pressure):
    p3 = partials.reshape(NW, 8, N_NODES // 8)
    m2 = meltwater.reshape(8, N_NODES // 8)
    b2 = bedrock.reshape(8, N_NODES // 8)
    w2 = pressure.reshape(8, N_NODES // 8)
    out = pl.pallas_call(
        _pack_body,
        out_shape=jax.ShapeDtypeStruct((8, N_NODES // 8), jnp.int32),
    )(p3, m2, b2, w2)
    return out.reshape(N_NODES)


@functools.partial(
    pl.kernel,
    out_type=jax.ShapeDtypeStruct((N_LINKS,), jnp.float32),
    mesh=_mesh,
    compiler_params=_sc_params,
    scratch_types=(
        [pltpu.VMEM((N_NODES,), jnp.int32)]
        + [pltpu.VMEM((CHUNK3,), jnp.int32)] * 4
        + [pltpu.VMEM((CHUNK3,), jnp.float32)] * 10
        + [pltpu.SemaphoreType.DMA] * 4
    ),
)
def _k3(z_hbm, head_hbm, tail_hbm, flux_hbm, slide_hbm, area_hbm, neff_hbm,
        out_hbm, node_buf, *scr):
    wid = _worker_id()
    base = wid * LINKS_PER_W
    S = 2
    hb = scr[0:S]
    tb = scr[S:2 * S]
    qb = scr[2 * S:3 * S]
    ub = scr[3 * S:4 * S]
    ab = scr[4 * S:5 * S]
    nb_ = scr[5 * S:6 * S]
    ob = scr[6 * S:7 * S]
    isems = scr[7 * S:8 * S]
    osems = scr[8 * S:9 * S]
    himask = jnp.int32(-65536)

    def in6(i, b):
        off = base + i * CHUNK3
        for hbm, buf in ((head_hbm, hb[b]), (tail_hbm, tb[b]),
                         (flux_hbm, qb[b]), (slide_hbm, ub[b]),
                         (area_hbm, ab[b]), (neff_hbm, nb_[b])):
            pltpu.async_copy(hbm.at[pl.ds(off, CHUNK3)], buf, isems[b])

    def wait_in6(i, b):
        off = base + i * CHUNK3
        for hbm, buf in ((head_hbm, hb[b]), (tail_hbm, tb[b]),
                         (flux_hbm, qb[b]), (slide_hbm, ub[b]),
                         (area_hbm, ab[b]), (neff_hbm, nb_[b])):
            pltpu.make_async_copy(hbm.at[pl.ds(off, CHUNK3)], buf,
                                  isems[b]).wait()

    def out1(i, b):
        off = base + i * CHUNK3
        pltpu.async_copy(ob[b], out_hbm.at[pl.ds(off, CHUNK3)], osems[b])

    def wait_out1(i, b):
        off = base + i * CHUNK3
        pltpu.make_async_copy(ob[b], out_hbm.at[pl.ds(off, CHUNK3)],
                              osems[b]).wait()

    for j in range(S - 1):
        in6(j, j)
    pltpu.sync_copy(z_hbm, node_buf)

    def chunk(k, carry):
        for b in range(S):
            i = S * k + b
            nxt = i + S - 1

            @pl.when(nxt < NCHUNK3)
            def _():
                in6(nxt, (b + S - 1) % S)

            wait_in6(i, b)

            @pl.when(i >= S)
            def _():
                wait_out1(i - S, b)

            @plsc.parallel_loop(0, CHUNK3, step=L, unroll=5)
            def vec(o):
                sl = pl.ds(o, L)
                h = hb[b][sl]
                t = tb[b][sl]
                q = qb[b][sl]
                u = ub[b][sl]
                a = ab[b][sl]
                n = nb_[b][sl]
                zh = plsc.load_gather(node_buf, [h])
                zt = plsc.load_gather(node_buf, [t])
                phi_h = plsc.bitcast(zh & himask, jnp.float32)
                phi_t = plsc.bitcast(zt & himask, jnp.float32)
                psi = plsc.bitcast(zh << 16, jnp.float32) + plsc.bitcast(
                    zt << 16, jnp.float32)
                ob[b][sl] = (MELT_CONSTANT * q * (phi_t - phi_h)
                             + STEP_HEIGHT * u
                             - CLOSURE_CONSTANT * (n * n * n) * a
                             + psi)

            out1(i, b)
        return carry

    lax.fori_loop(0, NCHUNK3 // S, chunk, 0)
    wait_out1(NCHUNK3 - 2, 0)
    wait_out1(NCHUNK3 - 1, 1)


def kernel(bedrock_elevation, ice_thickness, meltwater_input, water_pressure,
           ice_sliding_velocity, conduit_area, effective_pressure, water_flux,
           node_at_link_head, node_at_link_tail):
    del ice_thickness
    head = node_at_link_head.astype(jnp.int32)
    tail = node_at_link_tail.astype(jnp.int32)
    partials = _k1(head, tail, water_flux)
    z = _pack_tc(partials, meltwater_input, bedrock_elevation, water_pressure)
    return _k3(z, head, tail, water_flux, ice_sliding_velocity,
               conduit_area, effective_pressure)

# --- scband reference (transcript-rebuilt; emitter-appended) ---
"""Pipeline reference for scband-conduit-network-15341623181950 (READ-ONLY COPY).

The authoritative reference and input builder live on the scoring server;
editing this copy changes nothing except your own understanding.
"""

import jax, jax.numpy as jnp
import numpy as np

N_NODES = 100000
N_LINKS = 3200000
GRAVITY = 9.81
ICE_DENSITY = 917.0
WATER_DENSITY = 1000.0
LATENT_HEAT = 335000.0
STEP_HEIGHT = 0.1
ICE_FLUIDITY = 6e-24
GLENS_N = 3
DARCY_FRICTION = 0.0375
MELT_CONSTANT = 1.0 / (ICE_DENSITY * LATENT_HEAT)
CLOSURE_CONSTANT = 2.0 * ICE_FLUIDITY * GLENS_N ** (-GLENS_N)
FLOW_CONSTANT = 2.0 ** 0.25 * np.sqrt(np.pi + 2.0) / (np.pi ** 0.25 * np.sqrt(WATER_DENSITY * DARCY_FRICTION))


def setup_inputs(seed: int = 0) -> dict:
    key = jax.random.key(seed)
    ks = jax.random.split(key, 10)
    return {
        'bedrock_elevation': jax.random.normal(ks[0], (N_NODES,), dtype=jnp.float32) * 100.0,
        'ice_thickness': jax.random.uniform(ks[1], (N_NODES,), dtype=jnp.float32) * 1000.0,
        'meltwater_input': jax.random.uniform(ks[2], (N_NODES,), dtype=jnp.float32) * 1e-6,
        'water_pressure': jax.random.uniform(ks[3], (N_NODES,), dtype=jnp.float32) * 1e6,
        'ice_sliding_velocity': jax.random.uniform(ks[4], (N_LINKS,), dtype=jnp.float32) * 1e-6,
        'conduit_area': jax.random.uniform(ks[5], (N_LINKS,), dtype=jnp.float32) * 2.0,
        'effective_pressure': jax.random.uniform(ks[6], (N_LINKS,), dtype=jnp.float32) * 1e6,
        'water_flux': jax.random.uniform(ks[7], (N_LINKS,), dtype=jnp.float32) * 0.1,
        'node_at_link_head': jax.random.randint(ks[8], (N_LINKS,), 0, N_NODES),
        'node_at_link_tail': jax.random.randint(ks[9], (N_LINKS,), 0, N_NODES),
    }


def reference(bedrock_elevation, ice_thickness, meltwater_input, water_pressure,
              ice_sliding_velocity, conduit_area, effective_pressure, water_flux,
              node_at_link_head, node_at_link_tail):
    # hydraulic potential at nodes, mapped to links via gather (grid.calc_grad / map_to_links)
    phi = WATER_DENSITY * GRAVITY * bedrock_elevation + water_pressure
    hydraulic_gradient = phi[node_at_link_tail] - phi[node_at_link_head]
    # conduit_evolution_eq RHS (faithful to module math)
    melt_opening = MELT_CONSTANT * water_flux * hydraulic_gradient
    gap_opening = ice_sliding_velocity * STEP_HEIGHT
    creep_closure = CLOSURE_CONSTANT * jnp.power(effective_pressure, GLENS_N) * conduit_area
    dAdt = melt_opening + gap_opening - creep_closure
    # sum_at_nodes: scatter-add of link flux (inlinks minus outlinks) plus meltwater input
    inflow = jax.ops.segment_sum(water_flux, node_at_link_head, num_segments=N_NODES)
    outflow = jax.ops.segment_sum(water_flux, node_at_link_tail, num_segments=N_NODES)
    node_balance = inflow - outflow + meltwater_input
    # map_to_links of node balance (gather + mean of head/tail)
    out = dAdt + 0.5 * (node_balance[node_at_link_head] + node_balance[node_at_link_tail])
    return out

if __name__ == "__main__":
    import jax
    _d = setup_inputs()
    print(jax.jit(kernel)(*tuple(_d.values())))

</pallas_src>

<mosaic_0001>
#map = affine_map<(d0, d1) -> (0)>
#map1 = affine_map<(d0, d1) -> (0, 0)>
module attributes {stable_mosaic.version = 14 : i64} {
  func.func @_k1(%arg0: i32, %arg1: i32, %arg2: memref<3200000xi32, #tpu.memory_space<hbm>>, %arg3: memref<3200000xi32, #tpu.memory_space<hbm>>, %arg4: memref<3200000xf32, #tpu.memory_space<hbm>>, %arg5: memref<32x100000xf32, #tpu.memory_space<hbm>>, %arg6: memref<100000xf32, #tpu.memory_space<vmem>>, %arg7: memref<2000xi32, #tpu.memory_space<vmem>>, %arg8: memref<2000xi32, #tpu.memory_space<vmem>>, %arg9: memref<2000xi32, #tpu.memory_space<vmem>>, %arg10: memref<2000xi32, #tpu.memory_space<vmem>>, %arg11: memref<2000xi32, #tpu.memory_space<vmem>>, %arg12: memref<2000xi32, #tpu.memory_space<vmem>>, %arg13: memref<2000xi32, #tpu.memory_space<vmem>>, %arg14: memref<2000xi32, #tpu.memory_space<vmem>>, %arg15: memref<2000xi32, #tpu.memory_space<vmem>>, %arg16: memref<2000xi32, #tpu.memory_space<vmem>>, %arg17: memref<2000xf32, #tpu.memory_space<vmem>>, %arg18: memref<2000xf32, #tpu.memory_space<vmem>>, %arg19: memref<2000xf32, #tpu.memory_space<vmem>>, %arg20: memref<2000xf32, #tpu.memory_space<vmem>>, %arg21: memref<2000xf32, #tpu.memory_space<vmem>>, %arg22: memref<!tpu.dma_semaphore, #tpu.memory_space<semaphore_mem>>, %arg23: memref<!tpu.dma_semaphore, #tpu.memory_space<semaphore_mem>>, %arg24: memref<!tpu.dma_semaphore, #tpu.memory_space<semaphore_mem>>, %arg25: memref<!tpu.dma_semaphore, #tpu.memory_space<semaphore_mem>>, %arg26: memref<!tpu.dma_semaphore, #tpu.memory_space<semaphore_mem>>) attributes {dimension_semantics = [#tpu.dimension_semantics<core_parallel>, #tpu.dimension_semantics<subcore_parallel>], iteration_bounds = array<i64: 2, 16>, scalar_prefetch = 0 : i64, scratch_operands = 21 : i64, tpu.core_type = #tpu.core_type<sc_vector_subcore>, window_params = [{transform_indices = #map}, {transform_indices = #map}, {transform_indices = #map}, {transform_indices = #map1}]} {
    %mul3A = arith.constant 2 : i32
    %mul3A_0 = arith.muli %arg1, %mul3A : i32
    %add3A = arith.addi %mul3A_0, %arg0 : i32
    %mul3A_1 = arith.constant 100000 : i32
    %mul3A_2 = arith.muli %add3A, %mul3A_1 : i32
    %add3A_3 = arith.constant 0 : i32
    %add3A_4 = arith.addi %mul3A_2, %add3A_3 : i32
    %dma_start3A = tpu.memref_slice %arg2[%add3A_4] : memref<3200000xi32, #tpu.memory_space<hbm>> -> memref<2000xi32, #tpu.memory_space<hbm>>
    %dma_start3A_5 = tpu.memref_slice %arg2[%add3A_4] : memref<3200000xi32, #tpu.memory_space<hbm>> -> memref<2000xi32, #tpu.memory_space<hbm>>
    tpu.enqueue_dma source(%dma_start3A_5 : memref<2000xi32, #tpu.memory_space<hbm>>) target(%arg7 : memref<2000xi32, #tpu.memory_space<vmem>>) target_semaphore(%arg22 : memref<!tpu.dma_semaphore, #tpu.memory_space<semaphore_mem>>)
    %dma_start3A_6 = tpu.memref_slice %arg3[%add3A_4] : memref<3200000xi32, #tpu.memory_space<hbm>> -> memref<2000xi32, #tpu.memory_space<hbm>>
    %dma_start3A_7 = tpu.memref_slice %arg3[%add3A_4] : memref<3200000xi32, #tpu.memory_space<hbm>> -> memref<2000xi32, #tpu.memory_space<hbm>>
    tpu.enqueue_dma source(%dma_start3A_7 : memref<2000xi32, #tpu.memory_space<hbm>>) target(%arg12 : memref<2000xi32, #tpu.memory_space<vmem>>) target_semaphore(%arg22 : memref<!tpu.dma_semaphore, #tpu.memory_space<semaphore_mem>>)
    %dma_start3A_8 = tpu.memref_slice %arg4[%add3A_4] : memref<3200000xf32, #tpu.memory_space<hbm>> -> memref<2000xf32, #tpu.memory_space<hbm>>
    %dma_start3A_9 = tpu.memref_slice %arg4[%add3A_4] : memref<3200000xf32, #tpu.memory_space<hbm>> -> memref<2000xf32, #tpu.memory_space<hbm>>
    tpu.enqueue_dma source(%dma_start3A_9 : memref<2000xf32, #tpu.memory_space<hbm>>) target(%arg17 : memref<2000xf32, #tpu.memory_space<vmem>>) target_semaphore(%arg22 : memref<!tpu.dma_semaphore, #tpu.memory_space<semaphore_mem>>)
    %add3A_10 = arith.constant 2000 : i32
    %add3A_11 = arith.addi %mul3A_2, %add3A_10 : i32
    %dma_start3A_12 = tpu.memref_slice %arg2[%add3A_11] : memref<3200000xi32, #tpu.memory_space<hbm>> -> memref<2000xi32, #tpu.memory_space<hbm>>
    %dma_start3A_13 = tpu.memref_slice %arg2[%add3A_11] : memref<3200000xi32, #tpu.memory_space<hbm>> -> memref<2000xi32, #tpu.memory_space<hbm>>
    tpu.enqueue_dma source(%dma_start3A_13 : memref<2000xi32, #tpu.memory_space<hbm>>) target(%arg8 : memref<2000xi32, #tpu.memory_space<vmem>>) target_semaphore(%arg23 : memref<!tpu.dma_semaphore, #tpu.memory_space<semaphore_mem>>)
    %dma_start3A_14 = tpu.memref_slice %arg3[%add3A_11] : memref<3200000xi32, #tpu.memory_space<hbm>> -> memref<2000xi32, #tpu.memory_space<hbm>>
    %dma_start3A_15 = tpu.memref_slice %arg3[%add3A_11] : memref<3200000xi32, #tpu.memory_space<hbm>> -> memref<2000xi32, #tpu.memory_space<hbm>>
    tpu.enqueue_dma source(%dma_start3A_15 : memref<2000xi32, #tpu.memory_space<hbm>>) target(%arg13 : memref<2000xi32, #tpu.memory_space<vmem>>) target_semaphore(%arg23 : memref<!tpu.dma_semaphore, #tpu.memory_space<semaphore_mem>>)
    %dma_start3A_16 = tpu.memref_slice %arg4[%add3A_11] : memref<3200000xf32, #tpu.memory_space<hbm>> -> memref<2000xf32, #tpu.memory_space<hbm>>
    %dma_start3A_17 = tpu.memref_slice %arg4[%add3A_11] : memref<3200000xf32, #tpu.memory_space<hbm>> -> memref<2000xf32, #tpu.memory_space<hbm>>
    tpu.enqueue_dma source(%dma_start3A_17 : memref<2000xf32, #tpu.memory_space<hbm>>) target(%arg18 : memref<2000xf32, #tpu.memory_space<vmem>>) target_semaphore(%arg23 : memref<!tpu.dma_semaphore, #tpu.memory_space<semaphore_mem>>)
    %add3A_18 = arith.constant 4000 : i32
    %add3A_19 = arith.addi %mul3A_2, %add3A_18 : i32
    %dma_start3A_20 = tpu.memref_slice %arg2[%add3A_19] : memref<3200000xi32, #tpu.memory_space<hbm>> -> memref<2000xi32, #tpu.memory_space<hbm>>
    %dma_start3A_21 = tpu.memref_slice %arg2[%add3A_19] : memref<3200000xi32, #tpu.memory_space<hbm>> -> memref<2000xi32, #tpu.memory_space<hbm>>
    tpu.enqueue_dma source(%dma_start3A_21 : memref<2000xi32, #tpu.memory_space<hbm>>) target(%arg9 : memref<2000xi32, #tpu.memory_space<vmem>>) target_semaphore(%arg24 : memref<!tpu.dma_semaphore, #tpu.memory_space<semaphore_mem>>)
    %dma_start3A_22 = tpu.memref_slice %arg3[%add3A_19] : memref<3200000xi32, #tpu.memory_space<hbm>> -> memref<2000xi32, #tpu.memory_space<hbm>>
    %dma_start3A_23 = tpu.memref_slice %arg3[%add3A_19] : memref<3200000xi32, #tpu.memory_space<hbm>> -> memref<2000xi32, #tpu.memory_space<hbm>>
    tpu.enqueue_dma source(%dma_start3A_23 : memref<2000xi32, #tpu.memory_space<hbm>>) target(%arg14 : memref<2000xi32, #tpu.memory_space<vmem>>) target_semaphore(%arg24 : memref<!tpu.dma_semaphore, #tpu.memory_space<semaphore_mem>>)
    %dma_start3A_24 = tpu.memref_slice %arg4[%add3A_19] : memref<3200000xf32, #tpu.memory_space<hbm>> -> memref<2000xf32, #tpu.memory_space<hbm>>
    %dma_start3A_25 = tpu.memref_slice %arg4[%add3A_19] : memref<3200000xf32, #tpu.memory_space<hbm>> -> memref<2000xf32, #tpu.memory_space<hbm>>
    tpu.enqueue_dma source(%dma_start3A_25 : memref<2000xf32, #tpu.memory_space<hbm>>) target(%arg19 : memref<2000xf32, #tpu.memory_space<vmem>>) target_semaphore(%arg24 : memref<!tpu.dma_semaphore, #tpu.memory_space<semaphore_mem>>)
    %add3A_26 = arith.constant 6000 : i32
    %add3A_27 = arith.addi %mul3A_2, %add3A_26 : i32
    %dma_start3A_28 = tpu.memref_slice %arg2[%add3A_27] : memref<3200000xi32, #tpu.memory_space<hbm>> -> memref<2000xi32, #tpu.memory_space<hbm>>
    %dma_start3A_29 = tpu.memref_slice %arg2[%add3A_27] : memref<3200000xi32, #tpu.memory_space<hbm>> -> memref<2000xi32, #tpu.memory_space<hbm>>
    tpu.enqueue_dma source(%dma_start3A_29 : memref<2000xi32, #tpu.memory_space<hbm>>) target(%arg10 : memref<2000xi32, #tpu.memory_space<vmem>>) target_semaphore(%arg25 : memref<!tpu.dma_semaphore, #tpu.memory_space<semaphore_mem>>)
    %dma_start3A_30 = tpu.memref_slice %arg3[%add3A_27] : memref<3200000xi32, #tpu.memory_space<hbm>> -> memref<2000xi32, #tpu.memory_space<hbm>>
    %dma_start3A_31 = tpu.memref_slice %arg3[%add3A_27] : memref<3200000xi32, #tpu.memory_space<hbm>> -> memref<2000xi32, #tpu.memory_space<hbm>>
    tpu.enqueue_dma source(%dma_start3A_31 : memref<2000xi32, #tpu.memory_space<hbm>>) target(%arg15 : memref<2000xi32, #tpu.memory_space<vmem>>) target_semaphore(%arg25 : memref<!tpu.dma_semaphore, #tpu.memory_space<semaphore_mem>>)
    %dma_start3A_32 = tpu.memref_slice %arg4[%add3A_27] : memref<3200000xf32, #tpu.memory_space<hbm>> -> memref<2000xf32, #tpu.memory_space<hbm>>
    %dma_start3A_33 = tpu.memref_slice %arg4[%add3A_27] : memref<3200000xf32, #tpu.memory_space<hbm>> -> memref<2000xf32, #tpu.memory_space<hbm>>
    tpu.enqueue_dma source(%dma_start3A_33 : memref<2000xf32, #tpu.memory_space<hbm>>) target(%arg20 : memref<2000xf32, #tpu.memory_space<vmem>>) target_semaphore(%arg25 : memref<!tpu.dma_semaphore, #tpu.memory_space<semaphore_mem>>)
    %broadcast_in_dim3A = arith.constant 0.000000e+00 : f32
    %broadcast_in_dim3A_34 = vector.broadcast %broadcast_in_dim3A : f32 to vector<16xf32>
    %parallel_loop3A = arith.constant 0 : i32
    %parallel_loop3A_35 = arith.constant 100000 : i32
    %parallel_loop3A_36 = arith.constant 16 : i32
    scf.for %parallel_loop3A_42 = %parallel_loop3A to %parallel_loop3A_35 step %parallel_loop3A_36  : i32 {
      %parallel_loop3A_43 = arith.index_cast %parallel_loop3A_42 : i32 to index
      %parallel_loop3A_44 = tpu.vector_load %arg6[%parallel_loop3A_43] {strides = array<i32>} : memref<100000xf32, #tpu.memory_space<vmem>>, vector<16xf32>,
      tpu.vector_store %arg6[%parallel_loop3A_43], %broadcast_in_dim3A_34 {strides = array<i32>} : memref<100000xf32, #tpu.memory_space<vmem>>, vector<16xf32>,
    } {sc.loop_unroll_factor = 5 : i64, sc.parallel_access}
    %scan3A = arith.constant 0 : i32
    %scan3A_37 = arith.constant 0 : i32
    %scan3A_38 = arith.constant 10 : i32
    %scan3A_39 = arith.addi %scan3A_37, %scan3A_38 : i32
    %scan3A_40 = arith.constant 1 : i32
    scf.for %scan3A_42 = %scan3A_37 to %scan3A_39 step %scan3A_40  : i32 {
      %mul3A_43 = arith.constant 5 : i32
      %mul3A_44 = arith.muli %mul3A_43, %scan3A_42 : i32
      %add3A_45 = arith.constant 0 : i32
      %add3A_46 = arith.addi %mul3A_44, %add3A_45 : i32
      %add3A_47 = arith.constant 5 : i32
      %add3A_48 = arith.addi %add3A_46, %add3A_47 : i32
      %sub3A = arith.constant 1 : i32
      %sub3A_49 = arith.subi %add3A_48, %sub3A : i32
      %lt3A = arith.constant 50 : i32
      %lt3A_50 = arith.cmpi slt, %sub3A_49, %lt3A : i32
      %convert_element_type3A = arith.extui %lt3A_50 : i1 to i32
      %cond3A = arith.constant 0 : i32
      %cond3A_51 = arith.cmpi ne, %convert_element_type3A, %cond3A : i32
      scf.if %cond3A_51 {
        %mul3A_163 = arith.constant 2000 : i32
        %mul3A_164 = arith.muli %sub3A_49, %mul3A_163 : i32
        %add3A_165 = arith.addi %mul3A_2, %mul3A_164 : i32
        %dma_start3A_166 = tpu.memref_slice %arg2[%add3A_165] : memref<3200000xi32, #tpu.memory_space<hbm>> -> memref<2000xi32, #tpu.memory_space<hbm>>
        %dma_start3A_167 = tpu.memref_slice %arg2[%add3A_165] : memref<3200000xi32, #tpu.memory_space<hbm>> -> memref<2000xi32, #tpu.memory_space<hbm>>
        tpu.enqueue_dma source(%dma_start3A_167 : memref<2000xi32, #tpu.memory_space<hbm>>) target(%arg11 : memref<2000xi32, #tpu.memory_space<vmem>>) target_semaphore(%arg26 : memref<!tpu.dma_semaphore, #tpu.memory_space<semaphore_mem>>)
        %dma_start3A_168 = tpu.memref_slice %arg3[%add3A_165] : memref<3200000xi32, #tpu.memory_space<hbm>> -> memref<2000xi32, #tpu.memory_space<hbm>>
        %dma_start3A_169 = tpu.memref_slice %arg3[%add3A_165] : memref<3200000xi32, #tpu.memory_space<hbm>> -> memref<2000xi32, #tpu.memory_space<hbm>>
        tpu.enqueue_dma source(%dma_start3A_169 : memref<2000xi32, #tpu.memory_space<hbm>>) target(%arg16 : memref<2000xi32, #tpu.memory_space<vmem>>) target_semaphore(%arg26 : memref<!tpu.dma_semaphore, #tpu.memory_space<semaphore_mem>>)
        %dma_start3A_170 = tpu.memref_slice %arg4[%add3A_165] : memref<3200000xf32, #tpu.memory_space<hbm>> -> memref<2000xf32, #tpu.memory_space<hbm>>
        %dma_start3A_171 = tpu.memref_slice %arg4[%add3A_165] : memref<3200000xf32, #tpu.memory_space<hbm>> -> memref<2000xf32, #tpu.memory_space<hbm>>
        tpu.enqueue_dma source(%dma_start3A_171 : memref<2000xf32, #tpu.memory_space<hbm>>) target(%arg21 : memref<2000xf32, #tpu.memory_space<vmem>>) target_semaphore(%arg26 : memref<!tpu.dma_semaphore, #tpu.memory_space<semaphore_mem>>)
      } else {
      }
      %mul3A_52 = arith.constant 2000 : i32
      %mul3A_53 = arith.muli %add3A_46, %mul3A_52 : i32
      %add3A_54 = arith.addi %mul3A_2, %mul3A_53 : i32
      %dma_wait3A = tpu.memref_slice %arg2[%add3A_54] : memref<3200000xi32, #tpu.memory_space<hbm>> -> memref<2000xi32, #tpu.memory_space<hbm>>
      %dma_wait3A_55 = tpu.memref_slice %arg2[%add3A_54] : memref<3200000xi32, #tpu.memory_space<hbm>> -> memref<2000xi32, #tpu.memory_space<hbm>>
      tpu.wait_dma2 semaphore(%arg22 : memref<!tpu.dma_semaphore, #tpu.memory_space<semaphore_mem>>) src(%dma_wait3A_55 : memref<2000xi32, #tpu.memory_space<hbm>>) dst(%arg7 : memref<2000xi32, #tpu.memory_space<vmem>>)
      %dma_wait3A_56 = tpu.memref_slice %arg3[%add3A_54] : memref<3200000xi32, #tpu.memory_space<hbm>> -> memref<2000xi32, #tpu.memory_space<hbm>>
      %dma_wait3A_57 = tpu.memref_slice %arg3[%add3A_54] : memref<3200000xi32, #tpu.memory_space<hbm>> -> memref<2000xi32, #tpu.memory_space<hbm>>
      tpu.wait_dma2 semaphore(%arg22 : memref<!tpu.dma_semaphore, #tpu.memory_space<semaphore_mem>>) src(%dma_wait3A_57 : memref<2000xi32, #tpu.memory_space<hbm>>) dst(%arg12 : memref<2000xi32, #tpu.memory_space<vmem>>)
      %dma_wait3A_58 = tpu.memref_slice %arg4[%add3A_54] : memref<3200000xf32, #tpu.memory_space<hbm>> -> memref<2000xf32, #tpu.memory_space<hbm>>
      %dma_wait3A_59 = tpu.memref_slice %arg4[%add3A_54] : memref<3200000xf32, #tpu.memory_space<hbm>> -> memref<2000xf32, #tpu.memory_space<hbm>>
      tpu.wait_dma2 semaphore(%arg22 : memref<!tpu.dma_semaphore, #tpu.memory_space<semaphore_mem>>) src(%dma_wait3A_59 : memref<2000xf32, #tpu.memory_space<hbm>>) dst(%arg17 : memref<2000xf32, #tpu.memory_space<vmem>>)
      %parallel_loop3A_60 = arith.constant 0 : i32
      %parallel_loop3A_61 = arith.constant 2000 : i32
      %parallel_loop3A_62 = arith.constant 16 : i32
      scf.for %parallel_loop3A_163 = %parallel_loop3A_60 to %parallel_loop3A_61 step %parallel_loop3A_62  : i32 {
        %parallel_loop3A_164 = arith.index_cast %parallel_loop3A_163 : i32 to index
        %parallel_loop3A_165 = tpu.vector_load %arg7[%parallel_loop3A_164] {strides = array<i32>} : memref<2000xi32, #tpu.memory_space<vmem>>, vector<16xi32>,
        %parallel_loop3A_166 = arith.index_cast %parallel_loop3A_163 : i32 to index
        %parallel_loop3A_167 = tpu.vector_load %arg12[%parallel_loop3A_166] {strides = array<i32>} : memref<2000xi32, #tpu.memory_space<vmem>>, vector<16xi32>,
        %parallel_loop3A_168 = arith.index_cast %parallel_loop3A_163 : i32 to index
        %parallel_loop3A_169 = tpu.vector_load %arg17[%parallel_loop3A_168] {strides = array<i32>} : memref<2000xf32, #tpu.memory_space<vmem>>, vector<16xf32>,
        tpu.vector_store_idx %arg6[%parallel_loop3A_165], %parallel_loop3A_169 {add = true} : memref<100000xf32, #tpu.memory_space<vmem>>[vector<16xi32>], vector<16xf32>,
        %parallel_loop3A_170 = arith.constant 0.000000e+00 : f32
        %parallel_loop3A_171 = vector.broadcast %parallel_loop3A_170 : f32 to vector<16xf32>
        %parallel_loop3A_172 = arith.subf %parallel_loop3A_171, %parallel_loop3A_169 : vector<16xf32>
        tpu.vector_store_idx %arg6[%parallel_loop3A_167], %parallel_loop3A_172 {add = true} : memref<100000xf32, #tpu.memory_space<vmem>>[vector<16xi32>], vector<16xf32>,
      } {sc.loop_unroll_factor = 5 : i64, sc.parallel_access}
      %mul3A_63 = arith.constant 5 : i32
      %mul3A_64 = arith.muli %mul3A_63, %scan3A_42 : i32
      %add3A_65 = arith.constant 1 : i32
      %add3A_66 = arith.addi %mul3A_64, %add3A_65 : i32
      %add3A_67 = arith.constant 5 : i32
      %add3A_68 = arith.addi %add3A_66, %add3A_67 : i32
      %sub3A_69 = arith.constant 1 : i32
      %sub3A_70 = arith.subi %add3A_68, %sub3A_69 : i32
      %lt3A_71 = arith.constant 50 : i32
      %lt3A_72 = arith.cmpi slt, %sub3A_70, %lt3A_71 : i32
      %convert_element_type3A_73 = arith.extui %lt3A_72 : i1 to i32
      %cond3A_74 = arith.constant 0 : i32
      %cond3A_75 = arith.cmpi ne, %convert_element_type3A_73, %cond3A_74 : i32
      scf.if %cond3A_75 {
        %mul3A_163 = arith.constant 2000 : i32
        %mul3A_164 = arith.muli %sub3A_70, %mul3A_163 : i32
        %add3A_165 = arith.addi %mul3A_2, %mul3A_164 : i32
        %dma_start3A_166 = tpu.memref_slice %arg2[%add3A_165] : memref<3200000xi32, #tpu.memory_space<hbm>> -> memref<2000xi32, #tpu.memory_space<hbm>>
        %dma_start3A_167 = tpu.memref_slice %arg2[%add3A_165] : memref<3200000xi32, #tpu.memory_space<hbm>> -> memref<2000xi32, #tpu.memory_space<hbm>>
        tpu.enqueue_dma source(%dma_start3A_167 : memref<2000xi32, #tpu.memory_space<hbm>>) target(%arg7 : memref<2000xi32, #tpu.memory_space<vmem>>) target_semaphore(%arg22 : memref<!tpu.dma_semaphore, #tpu.memory_space<semaphore_mem>>)
        %dma_start3A_168 = tpu.memref_slice %arg3[%add3A_165] : memref<3200000xi32, #tpu.memory_space<hbm>> -> memref<2000xi32, #tpu.memory_space<hbm>>
        %dma_start3A_169 = tpu.memref_slice %arg3[%add3A_165] : memref<3200000xi32, #tpu.memory_space<hbm>> -> memref<2000xi32, #tpu.memory_space<hbm>>
        tpu.enqueue_dma source(%dma_start3A_169 : memref<2000xi32, #tpu.memory_space<hbm>>) target(%arg12 : memref<2000xi32, #tpu.memory_space<vmem>>) target_semaphore(%arg22 : memref<!tpu.dma_semaphore, #tpu.memory_space<semaphore_mem>>)
        %dma_start3A_170 = tpu.memref_slice %arg4[%add3A_165] : memref<3200000xf32, #tpu.memory_space<hbm>> -> memref<2000xf32, #tpu.memory_space<hbm>>
        %dma_start3A_171 = tpu.memref_slice %arg4[%add3A_165] : memref<3200000xf32, #tpu.memory_space<hbm>> -> memref<2000xf32, #tpu.memory_space<hbm>>
        tpu.enqueue_dma source(%dma_start3A_171 : memref<2000xf32, #tpu.memory_space<hbm>>) target(%arg17 : memref<2000xf32, #tpu.memory_space<vmem>>) target_semaphore(%arg22 : memref<!tpu.dma_semaphore, #tpu.memory_space<semaphore_mem>>)
      } else {
      }
      %mul3A_76 = arith.constant 2000 : i32
      %mul3A_77 = arith.muli %add3A_66, %mul3A_76 : i32
      %add3A_78 = arith.addi %mul3A_2, %mul3A_77 : i32
      %dma_wait3A_79 = tpu.memref_slice %arg2[%add3A_78] : memref<3200000xi32, #tpu.memory_space<hbm>> -> memref<2000xi32, #tpu.memory_space<hbm>>
      %dma_wait3A_80 = tpu.memref_slice %arg2[%add3A_78] : memref<3200000xi32, #tpu.memory_space<hbm>> -> memref<2000xi32, #tpu.memory_space<hbm>>
      tpu.wait_dma2 semaphore(%arg23 : memref<!tpu.dma_semaphore, #tpu.memory_space<semaphore_mem>>) src(%dma_wait3A_80 : memref<2000xi32, #tpu.memory_space<hbm>>) dst(%arg8 : memref<2000xi32, #tpu.memory_space<vmem>>)
      %dma_wait3A_81 = tpu.memref_slice %arg3[%add3A_78] : memref<3200000xi32, #tpu.memory_space<hbm>> -> memref<2000xi32, #tpu.memory_space<hbm>>
      %dma_wait3A_82 = tpu.memref_slice %arg3[%add3A_78] : memref<3200000xi32, #tpu.memory_space<hbm>> -> memref<2000xi32, #tpu.memory_space<hbm>>
      tpu.wait_dma2 semaphore(%arg23 : memref<!tpu.dma_semaphore, #tpu.memory_space<semaphore_mem>>) src(%dma_wait3A_82 : memref<2000xi32, #tpu.memory_space<hbm>>) dst(%arg13 : memref<2000xi32, #tpu.memory_space<vmem>>)
      %dma_wait3A_83 = tpu.memref_slice %arg4[%add3A_78] : memref<3200000xf32, #tpu.memory_space<hbm>> -> memref<2000xf32, #tpu.memory_space<hbm>>
      %dma_wait3A_84 = tpu.memref_slice %arg4[%add3A_78] : memref<3200000xf32, #tpu.memory_space<hbm>> -> memref<2000xf32, #tpu.memory_space<hbm>>
      tpu.wait_dma2 semaphore(%arg23 : memref<!tpu.dma_semaphore, #tpu.memory_space<semaphore_mem>>) src(%dma_wait3A_84 : memref<2000xf32, #tpu.memory_space<hbm>>) dst(%arg18 : memref<2000xf32, #tpu.memory_space<vmem>>)
      %parallel_loop3A_85 = arith.constant 0 : i32
      %parallel_loop3A_86 = arith.constant 2000 : i32
      %parallel_loop3A_87 = arith.constant 16 : i32
      scf.for %parallel_loop3A_163 = %parallel_loop3A_85 to %parallel_loop3A_86 step %parallel_loop3A_87  : i32 {
        %parallel_loop3A_164 = arith.index_cast %parallel_loop3A_163 : i32 to index
        %parallel_loop3A_165 = tpu.vector_load %arg8[%parallel_loop3A_164] {strides = array<i32>} : memref<2000xi32, #tpu.memory_space<vmem>>, vector<16xi32>,
        %parallel_loop3A_166 = arith.index_cast %parallel_loop3A_163 : i32 to index
        %parallel_loop3A_167 = tpu.vector_load %arg13[%parallel_loop3A_166] {strides = array<i32>} : memref<2000xi32, #tpu.memory_space<vmem>>, vector<16xi32>,
        %parallel_loop3A_168 = arith.index_cast %parallel_loop3A_163 : i32 to index
        %parallel_loop3A_169 = tpu.vector_load %arg18[%parallel_loop3A_168] {strides = array<i32>} : memref<2000xf32, #tpu.memory_space<vmem>>, vector<16xf32>,
        tpu.vector_store_idx %arg6[%parallel_loop3A_165], %parallel_loop3A_169 {add = true} : memref<100000xf32, #tpu.memory_space<vmem>>[vector<16xi32>], vector<16xf32>,
        %parallel_loop3A_170 = arith.constant 0.000000e+00 : f32
        %parallel_loop3A_171 = vector.broadcast %parallel_loop3A_170 : f32 to vector<16xf32>
        %parallel_loop3A_172 = arith.subf %parallel_loop3A_171, %parallel_loop3A_169 : vector<16xf32>
        tpu.vector_store_idx %arg6[%parallel_loop3A_167], %parallel_loop3A_172 {add = true} : memref<100000xf32, #tpu.memory_space<vmem>>[vector<16xi32>], vector<16xf32>,
      } {sc.loop_unroll_factor = 5 : i64, sc.parallel_access}
      %mul3A_88 = arith.constant 5 : i32
      %mul3A_89 = arith.muli %mul3A_88, %scan3A_42 : i32
      %add3A_90 = arith.constant 2 : i32
      %add3A_91 = arith.addi %mul3A_89, %add3A_90 : i32
      %add3A_92 = arith.constant 5 : i32
      %add3A_93 = arith.addi %add3A_91, %add3A_92 : i32
      %sub3A_94 = arith.constant 1 : i32
      %sub3A_95 = arith.subi %add3A_93, %sub3A_94 : i32
      %lt3A_96 = arith.constant 50 : i32
      %lt3A_97 = arith.cmpi slt, %sub3A_95, %lt3A_96 : i32
      %convert_element_type3A_98 = arith.extui %lt3A_97 : i1 to i32
      %cond3A_99 = arith.constant 0 : i32
      %cond3A_100 = arith.cmpi ne, %convert_element_type3A_98, %cond3A_99 : i32
      scf.if %cond3A_100 {
        %mul3A_163 = arith.constant 2000 : i32
        %mul3A_164 = arith.muli %sub3A_95, %mul3A_163 : i32
        %add3A_165 = arith.addi %mul3A_2, %mul3A_164 : i32
        %dma_start3A_166 = tpu.memref_slice %arg2[%add3A_165] : memref<3200000xi32, #tpu.memory_space<hbm>> -> memref<2000xi32, #tpu.memory_space<hbm>>
        %dma_start3A_167 = tpu.memref_slice %arg2[%add3A_165] : memref<3200000xi32, #tpu.memory_space<hbm>> -> memref<2000xi32, #tpu.memory_space<hbm>>
        tpu.enqueue_dma source(%dma_start3A_167 : memref<2000xi32, #tpu.memory_space<hbm>>) target(%arg8 : memref<2000xi32, #tpu.memory_space<vmem>>) target_semaphore(%arg23 : memref<!tpu.dma_semaphore, #tpu.memory_space<semaphore_mem>>)
        %dma_start3A_168 = tpu.memref_slice %arg3[%add3A_165] : memref<3200000xi32, #tpu.memory_space<hbm>> -> memref<2000xi32, #tpu.memory_space<hbm>>
        %dma_start3A_169 = tpu.memref_slice %arg3[%add3A_165] : memref<3200000xi32, #tpu.memory_space<hbm>> -> memref<2000xi32, #tpu.memory_space<hbm>>
        tpu.enqueue_dma source(%dma_start3A_169 : memref<2000xi32, #tpu.memory_space<hbm>>) target(%arg13 : memref<2000xi32, #tpu.memory_space<vmem>>) target_semaphore(%arg23 : memref<!tpu.dma_semaphore, #tpu.memory_space<semaphore_mem>>)
        %dma_start3A_170 = tpu.memref_slice %arg4[%add3A_165] : memref<3200000xf32, #tpu.memory_space<hbm>> -> memref<2000xf32, #tpu.memory_space<hbm>>
        %dma_start3A_171 = tpu.memref_slice %arg4[%add3A_165] : memref<3200000xf32, #tpu.memory_space<hbm>> -> memref<2000xf32, #tpu.memory_space<hbm>>
        tpu.enqueue_dma source(%dma_start3A_171 : memref<2000xf32, #tpu.memory_space<hbm>>) target(%arg18 : memref<2000xf32, #tpu.memory_space<vmem>>) target_semaphore(%arg23 : memref<!tpu.dma_semaphore, #tpu.memory_space<semaphore_mem>>)
      } else {
      }
      %mul3A_101 = arith.constant 2000 : i32
      %mul3A_102 = arith.muli %add3A_91, %mul3A_101 : i32
      %add3A_103 = arith.addi %mul3A_2, %mul3A_102 : i32
      %dma_wait3A_104 = tpu.memref_slice %arg2[%add3A_103] : memref<3200000xi32, #tpu.memory_space<hbm>> -> memref<2000xi32, #tpu.memory_space<hbm>>
      %dma_wait3A_105 = tpu.memref_slice %arg2[%add3A_103] : memref<3200000xi32, #tpu.memory_space<hbm>> -> memref<2000xi32, #tpu.memory_space<hbm>>
      tpu.wait_dma2 semaphore(%arg24 : memref<!tpu.dma_semaphore, #tpu.memory_space<semaphore_mem>>) src(%dma_wait3A_105 : memref<2000xi32, #tpu.memory_space<hbm>>) dst(%arg9 : memref<2000xi32, #tpu.memory_space<vmem>>)
      %dma_wait3A_106 = tpu.memref_slice %arg3[%add3A_103] : memref<3200000xi32, #tpu.memory_space<hbm>> -> memref<2000xi32, #tpu.memory_space<hbm>>
      %dma_wait3A_107 = tpu.memref_slice %arg3[%add3A_103] : memref<3200000xi32, #tpu.memory_space<hbm>> -> memref<2000xi32, #tpu.memory_space<hbm>>
      tpu.wait_dma2 semaphore(%arg24 : memref<!tpu.dma_semaphore, #tpu.memory_space<semaphore_mem>>) src(%dma_wait3A_107 : memref<2000xi32, #tpu.memory_space<hbm>>) dst(%arg14 : memref<2000xi32, #tpu.memory_space<vmem>>)
      %dma_wait3A_108 = tpu.memref_slice %arg4[%add3A_103] : memref<3200000xf32, #tpu.memory_space<hbm>> -> memref<2000xf32, #tpu.memory_space<hbm>>
      %dma_wait3A_109 = tpu.memref_slice %arg4[%add3A_103] : memref<3200000xf32, #tpu.memory_space<hbm>> -> memref<2000xf32, #tpu.memory_space<hbm>>
      tpu.wait_dma2 semaphore(%arg24 : memref<!tpu.dma_semaphore, #tpu.memory_space<semaphore_mem>>) src(%dma_wait3A_109 : memref<2000xf32, #tpu.memory_space<hbm>>) dst(%arg19 : memref<2000xf32, #tpu.memory_space<vmem>>)
      %parallel_loop3A_110 = arith.constant 0 : i32
      %parallel_loop3A_111 = arith.constant 2000 : i32
      %parallel_loop3A_112 = arith.constant 16 : i32
      scf.for %parallel_loop3A_163 = %parallel_loop3A_110 to %parallel_loop3A_111 step %parallel_loop3A_112  : i32 {
        %parallel_loop3A_164 = arith.index_cast %parallel_loop3A_163 : i32 to index
        %parallel_loop3A_165 = tpu.vector_load %arg9[%parallel_loop3A_164] {strides = array<i32>} : memref<2000xi32, #tpu.memory_space<vmem>>, vector<16xi32>,
        %parallel_loop3A_166 = arith.index_cast %parallel_loop3A_163 : i32 to index
        %parallel_loop3A_167 = tpu.vector_load %arg14[%parallel_loop3A_166] {strides = array<i32>} : memref<2000xi32, #tpu.memory_space<vmem>>, vector<16xi32>,
        %parallel_loop3A_168 = arith.index_cast %parallel_loop3A_163 : i32 to index
        %parallel_loop3A_169 = tpu.vector_load %arg19[%parallel_loop3A_168] {strides = array<i32>} : memref<2000xf32, #tpu.memory_space<vmem>>, vector<16xf32>,
        tpu.vector_store_idx %arg6[%parallel_loop3A_165], %parallel_loop3A_169 {add = true} : memref<100000xf32, #tpu.memory_space<vmem>>[vector<16xi32>], vector<16xf32>,
        %parallel_loop3A_170 = arith.constant 0.000000e+00 : f32
        %parallel_loop3A_171 = vector.broadcast %parallel_loop3A_170 : f32 to vector<16xf32>
        %parallel_loop3A_172 = arith.subf %parallel_loop3A_171, %parallel_loop3A_169 : vector<16xf32>
        tpu.vector_store_idx %arg6[%parallel_loop3A_167], %parallel_loop3A_172 {add = true} : memref<100000xf32, #tpu.memory_space<vmem>>[vector<16xi32>], vector<16xf32>,
      } {sc.loop_unroll_factor = 5 : i64, sc.parallel_access}
      %mul3A_113 = arith.constant 5 : i32
      %mul3A_114 = arith.muli %mul3A_113, %scan3A_42 : i32
      %add3A_115 = arith.constant 3 : i32
      %add3A_116 = arith.addi %mul3A_114, %add3A_115 : i32
      %add3A_117 = arith.constant 5 : i32
      %add3A_118 = arith.addi %add3A_116, %add3A_117 : i32
      %sub3A_119 = arith.constant 1 : i32
      %sub3A_120 = arith.subi %add3A_118, %sub3A_119 : i32
      %lt3A_121 = arith.constant 50 : i32
      %lt3A_122 = arith.cmpi slt, %sub3A_120, %lt3A_121 : i32
      %convert_element_type3A_123 = arith.extui %lt3A_122 : i1 to i32
      %cond3A_124 = arith.constant 0 : i32
      %cond3A_125 = arith.cmpi ne, %convert_element_type3A_123, %cond3A_124 : i32
      scf.if %cond3A_125 {
        %mul3A_163 = arith.constant 2000 : i32
        %mul3A_164 = arith.muli %sub3A_120, %mul3A_163 : i32
        %add3A_165 = arith.addi %mul3A_2, %mul3A_164 : i32
        %dma_start3A_166 = tpu.memref_slice %arg2[%add3A_165] : memref<3200000xi32, #tpu.memory_space<hbm>> -> memref<2000xi32, #tpu.memory_space<hbm>>
        %dma_start3A_167 = tpu.memref_slice %arg2[%add3A_165] : memref<3200000xi32, #tpu.memory_space<hbm>> -> memref<2000xi32, #tpu.memory_space<hbm>>
        tpu.enqueue_dma source(%dma_start3A_167 : memref<2000xi32, #tpu.memory_space<hbm>>) target(%arg9 : memref<2000xi32, #tpu.memory_space<vmem>>) target_semaphore(%arg24 : memref<!tpu.dma_semaphore, #tpu.memory_space<semaphore_mem>>)
        %dma_start3A_168 = tpu.memref_slice %arg3[%add3A_165] : memref<3200000xi32, #tpu.memory_space<hbm>> -> memref<2000xi32, #tpu.memory_space<hbm>>
        %dma_start3A_169 = tpu.memref_slice %arg3[%add3A_165] : memref<3200000xi32, #tpu.memory_space<hbm>> -> memref<2000xi32, #tpu.memory_space<hbm>>
        tpu.enqueue_dma source(%dma_start3A_169 : memref<2000xi32, #tpu.memory_space<hbm>>) target(%arg14 : memref<2000xi32, #tpu.memory_space<vmem>>) target_semaphore(%arg24 : memref<!tpu.dma_semaphore, #tpu.memory_space<semaphore_mem>>)
        %dma_start3A_170 = tpu.memref_slice %arg4[%add3A_165] : memref<3200000xf32, #tpu.memory_space<hbm>> -> memref<2000xf32, #tpu.memory_space<hbm>>
        %dma_start3A_171 = tpu.memref_slice %arg4[%add3A_165] : memref<3200000xf32, #tpu.memory_space<hbm>> -> memref<2000xf32, #tpu.memory_space<hbm>>
        tpu.enqueue_dma source(%dma_start3A_171 : memref<2000xf32, #tpu.memory_space<hbm>>) target(%arg19 : memref<2000xf32, #tpu.memory_space<vmem>>) target_semaphore(%arg24 : memref<!tpu.dma_semaphore, #tpu.memory_space<semaphore_mem>>)
      } else {
      }
      %mul3A_126 = arith.constant 2000 : i32
      %mul3A_127 = arith.muli %add3A_116, %mul3A_126 : i32
      %add3A_128 = arith.addi %mul3A_2, %mul3A_127 : i32
      %dma_wait3A_129 = tpu.memref_slice %arg2[%add3A_128] : memref<3200000xi32, #tpu.memory_space<hbm>> -> memref<2000xi32, #tpu.memory_space<hbm>>
      %dma_wait3A_130 = tpu.memref_slice %arg2[%add3A_128] : memref<3200000xi32, #tpu.memory_space<hbm>> -> memref<2000xi32, #tpu.memory_space<hbm>>
      tpu.wait_dma2 semaphore(%arg25 : memref<!tpu.dma_semaphore, #tpu.memory_space<semaphore_mem>>) src(%dma_wait3A_130 : memref<2000xi32, #tpu.memory_space<hbm>>) dst(%arg10 : memref<2000xi32, #tpu.memory_space<vmem>>)
      %dma_wait3A_131 = tpu.memref_slice %arg3[%add3A_128] : memref<3200000xi32, #tpu.memory_space<hbm>> -> memref<2000xi32, #tpu.memory_space<hbm>>
      %dma_wait3A_132 = tpu.memref_slice %arg3[%add3A_128] : memref<3200000xi32, #tpu.memory_space<hbm>> -> memref<2000xi32, #tpu.memory_space<hbm>>
      tpu.wait_dma2 semaphore(%arg25 : memref<!tpu.dma_semaphore, #tpu.memory_space<semaphore_mem>>) src(%dma_wait3A_132 : memref<2000xi32, #tpu.memory_space<hbm>>) dst(%arg15 : memref<2000xi32, #tpu.memory_space<vmem>>)
      %dma_wait3A_133 = tpu.memref_slice %arg4[%add3A_128] : memref<3200000xf32, #tpu.memory_space<hbm>> -> memref<2000xf32, #tpu.memory_space<hbm>>
      %dma_wait3A_134 = tpu.memref_slice %arg4[%add3A_128] : memref<3200000xf32, #tpu.memory_space<hbm>> -> memref<2000xf32, #tpu.memory_space<hbm>>
      tpu.wait_dma2 semaphore(%arg25 : memref<!tpu.dma_semaphore, #tpu.memory_space<semaphore_mem>>) src(%dma_wait3A_134 : memref<2000xf32, #tpu.memory_space<hbm>>) dst(%arg20 : memref<2000xf32, #tpu.memory_space<vmem>>)
      %parallel_loop3A_135 = arith.constant 0 : i32
      %parallel_loop3A_136 = arith.constant 2000 : i32
      %parallel_loop3A_137 = arith.constant 16 : i32
      scf.for %parallel_loop3A_163 = %parallel_loop3A_135 to %parallel_loop3A_136 step %parallel_loop3A_137  : i32 {
        %parallel_loop3A_164 = arith.index_cast %parallel_loop3A_163 : i32 to index
        %parallel_loop3A_165 = tpu.vector_load %arg10[%parallel_loop3A_164] {strides = array<i32>} : memref<2000xi32, #tpu.memory_space<vmem>>, vector<16xi32>,
        %parallel_loop3A_166 = arith.index_cast %parallel_loop3A_163 : i32 to index
        %parallel_loop3A_167 = tpu.vector_load %arg15[%parallel_loop3A_166] {strides = array<i32>} : memref<2000xi32, #tpu.memory_space<vmem>>, vector<16xi32>,
        %parallel_loop3A_168 = arith.index_cast %parallel_loop3A_163 : i32 to index
        %parallel_loop3A_169 = tpu.vector_load %arg20[%parallel_loop3A_168] {strides = array<i32>} : memref<2000xf32, #tpu.memory_space<vmem>>, vector<16xf32>,
        tpu.vector_store_idx %arg6[%parallel_loop3A_165], %parallel_loop3A_169 {add = true} : memref<100000xf32, #tpu.memory_space<vmem>>[vector<16xi32>], vector<16xf32>,
        %parallel_loop3A_170 = arith.constant 0.000000e+00 : f32
        %parallel_loop3A_171 = vector.broadcast %parallel_loop3A_170 : f32 to vector<16xf32>
        %parallel_loop3A_172 = arith.subf %parallel_loop3A_171, %parallel_loop3A_169 : vector<16xf32>
        tpu.vector_store_idx %arg6[%parallel_loop3A_167], %parallel_loop3A_172 {add = true} : memref<100000xf32, #tpu.memory_space<vmem>>[vector<16xi32>], vector<16xf32>,
      } {sc.loop_unroll_factor = 5 : i64, sc.parallel_access}
      %mul3A_138 = arith.constant 5 : i32
      %mul3A_139 = arith.muli %mul3A_138, %scan3A_42 : i32
      %add3A_140 = arith.constant 4 : i32
      %add3A_141 = arith.addi %mul3A_139, %add3A_140 : i32
      %add3A_142 = arith.constant 5 : i32
      %add3A_143 = arith.addi %add3A_141, %add3A_142 : i32
      %sub3A_144 = arith.constant 1 : i32
      %sub3A_145 = arith.subi %add3A_143, %sub3A_144 : i32
      %lt3A_146 = arith.constant 50 : i32
      %lt3A_147 = arith.cmpi slt, %sub3A_145, %lt3A_146 : i32
      %convert_element_type3A_148 = arith.extui %lt3A_147 : i1 to i32
      %cond3A_149 = arith.constant 0 : i32
      %cond3A_150 = arith.cmpi ne, %convert_element_type3A_148, %cond3A_149 : i32
      scf.if %cond3A_150 {
        %mul3A_163 = arith.constant 2000 : i32
        %mul3A_164 = arith.muli %sub3A_145, %mul3A_163 : i32
        %add3A_165 = arith.addi %mul3A_2, %mul3A_164 : i32
        %dma_start3A_166 = tpu.memref_slice %arg2[%add3A_165] : memref<3200000xi32, #tpu.memory_space<hbm>> -> memref<2000xi32, #tpu.memory_space<hbm>>
        %dma_start3A_167 = tpu.memref_slice %arg2[%add3A_165] : memref<3200000xi32, #tpu.memory_space<hbm>> -> memref<2000xi32, #tpu.memory_space<hbm>>
        tpu.enqueue_dma source(%dma_start3A_167 : memref<2000xi32, #tpu.memory_space<hbm>>) target(%arg10 : memref<2000xi32, #tpu.memory_space<vmem>>) target_semaphore(%arg25 : memref<!tpu.dma_semaphore, #tpu.memory_space<semaphore_mem>>)
        %dma_start3A_168 = tpu.memref_slice %arg3[%add3A_165] : memref<3200000xi32, #tpu.memory_space<hbm>> -> memref<2000xi32, #tpu.memory_space<hbm>>
        %dma_start3A_169 = tpu.memref_slice %arg3[%add3A_165] : memref<3200000xi32, #tpu.memory_space<hbm>> -> memref<2000xi32, #tpu.memory_space<hbm>>
        tpu.enqueue_dma source(%dma_start3A_169 : memref<2000xi32, #tpu.memory_space<hbm>>) target(%arg15 : memref<2000xi32, #tpu.memory_space<vmem>>) target_semaphore(%arg25 : memref<!tpu.dma_semaphore, #tpu.memory_space<semaphore_mem>>)
        %dma_start3A_170 = tpu.memref_slice %arg4[%add3A_165] : memref<3200000xf32, #tpu.memory_space<hbm>> -> memref<2000xf32, #tpu.memory_space<hbm>>
        %dma_start3A_171 = tpu.memref_slice %arg4[%add3A_165] : memref<3200000xf32, #tpu.memory_space<hbm>> -> memref<2000xf32, #tpu.memory_space<hbm>>
        tpu.enqueue_dma source(%dma_start3A_171 : memref<2000xf32, #tpu.memory_space<hbm>>) target(%arg20 : memref<2000xf32, #tpu.memory_space<vmem>>) target_semaphore(%arg25 : memref<!tpu.dma_semaphore, #tpu.memory_space<semaphore_mem>>)
      } else {
      }
      %mul3A_151 = arith.constant 2000 : i32
      %mul3A_152 = arith.muli %add3A_141, %mul3A_151 : i32
      %add3A_153 = arith.addi %mul3A_2, %mul3A_152 : i32
      %dma_wait3A_154 = tpu.memref_slice %arg2[%add3A_153] : memref<3200000xi32, #tpu.memory_space<hbm>> -> memref<2000xi32, #tpu.memory_space<hbm>>
      %dma_wait3A_155 = tpu.memref_slice %arg2[%add3A_153] : memref<3200000xi32, #tpu.memory_space<hbm>> -> memref<2000xi32, #tpu.memory_space<hbm>>
      tpu.wait_dma2 semaphore(%arg26 : memref<!tpu.dma_semaphore, #tpu.memory_space<semaphore_mem>>) src(%dma_wait3A_155 : memref<2000xi32, #tpu.memory_space<hbm>>) dst(%arg11 : memref<2000xi32, #tpu.memory_space<vmem>>)
      %dma_wait3A_156 = tpu.memref_slice %arg3[%add3A_153] : memref<3200000xi32, #tpu.memory_space<hbm>> -> memref<2000xi32, #tpu.memory_space<hbm>>
      %dma_wait3A_157 = tpu.memref_slice %arg3[%add3A_153] : memref<3200000xi32, #tpu.memory_space<hbm>> -> memref<2000xi32, #tpu.memory_space<hbm>>
      tpu.wait_dma2 semaphore(%arg26 : memref<!tpu.dma_semaphore, #tpu.memory_space<semaphore_mem>>) src(%dma_wait3A_157 : memref<2000xi32, #tpu.memory_space<hbm>>) dst(%arg16 : memref<2000xi32, #tpu.memory_space<vmem>>)
      %dma_wait3A_158 = tpu.memref_slice %arg4[%add3A_153] : memref<3200000xf32, #tpu.memory_space<hbm>> -> memref<2000xf32, #tpu.memory_space<hbm>>
      %dma_wait3A_159 = tpu.memref_slice %arg4[%add3A_153] : memref<3200000xf32, #tpu.memory_space<hbm>> -> memref<2000xf32, #tpu.memory_space<hbm>>
      tpu.wait_dma2 semaphore(%arg26 : memref<!tpu.dma_semaphore, #tpu.memory_space<semaphore_mem>>) src(%dma_wait3A_159 : memref<2000xf32, #tpu.memory_space<hbm>>) dst(%arg21 : memref<2000xf32, #tpu.memory_space<vmem>>)
      %parallel_loop3A_160 = arith.constant 0 : i32
      %parallel_loop3A_161 = arith.constant 2000 : i32
      %parallel_loop3A_162 = arith.constant 16 : i32
      scf.for %parallel_loop3A_163 = %parallel_loop3A_160 to %parallel_loop3A_161 step %parallel_loop3A_162  : i32 {
        %parallel_loop3A_164 = arith.index_cast %parallel_loop3A_163 : i32 to index
        %parallel_loop3A_165 = tpu.vector_load %arg11[%parallel_loop3A_164] {strides = array<i32>} : memref<2000xi32, #tpu.memory_space<vmem>>, vector<16xi32>,
        %parallel_loop3A_166 = arith.index_cast %parallel_loop3A_163 : i32 to index
        %parallel_loop3A_167 = tpu.vector_load %arg16[%parallel_loop3A_166] {strides = array<i32>} : memref<2000xi32, #tpu.memory_space<vmem>>, vector<16xi32>,
        %parallel_loop3A_168 = arith.index_cast %parallel_loop3A_163 : i32 to index
        %parallel_loop3A_169 = tpu.vector_load %arg21[%parallel_loop3A_168] {strides = array<i32>} : memref<2000xf32, #tpu.memory_space<vmem>>, vector<16xf32>,
        tpu.vector_store_idx %arg6[%parallel_loop3A_165], %parallel_loop3A_169 {add = true} : memref<100000xf32, #tpu.memory_space<vmem>>[vector<16xi32>], vector<16xf32>,
        %parallel_loop3A_170 = arith.constant 0.000000e+00 : f32
        %parallel_loop3A_171 = vector.broadcast %parallel_loop3A_170 : f32 to vector<16xf32>
        %parallel_loop3A_172 = arith.subf %parallel_loop3A_171, %parallel_loop3A_169 : vector<16xf32>
        tpu.vector_store_idx %arg6[%parallel_loop3A_167], %parallel_loop3A_172 {add = true} : memref<100000xf32, #tpu.memory_space<vmem>>[vector<16xi32>], vector<16xf32>,
      } {sc.loop_unroll_factor = 5 : i64, sc.parallel_access}
    }
    %scan3A_41 = arith.constant 10 : i32
    "tpu.region"() ({
      %run_scoped3A = tpu.sem_alloc : memref<!tpu.dma_semaphore, #tpu.memory_space<semaphore_mem>>
      %dma_start3A_42 = arith.constant 0 : i32
      %dma_start3A_43 = tpu.memref_slice %arg5[%add3A, %dma_start3A_42] : memref<32x100000xf32, #tpu.memory_space<hbm>> -> memref<1x100000xf32, #tpu.memory_space<hbm>>
      %dma_start3A_44 = tpu.memref_squeeze %dma_start3A_43 : memref<1x100000xf32, #tpu.memory_space<hbm>> -> memref<100000xf32, #tpu.memory_space<hbm>>
      %dma_start3A_45 = arith.constant 0 : i32
      %dma_start3A_46 = tpu.memref_slice %arg5[%add3A, %dma_start3A_45] : memref<32x100000xf32, #tpu.memory_space<hbm>> -> memref<1x100000xf32, #tpu.memory_space<hbm>>
      %dma_start3A_47 = tpu.memref_squeeze %dma_start3A_46 : memref<1x100000xf32, #tpu.memory_space<hbm>> -> memref<100000xf32, #tpu.memory_space<hbm>>
      tpu.enqueue_dma source(%arg6 : memref<100000xf32, #tpu.memory_space<vmem>>) target(%dma_start3A_47 : memref<100000xf32, #tpu.memory_space<hbm>>) target_semaphore(%run_scoped3A : memref<!tpu.dma_semaphore, #tpu.memory_space<semaphore_mem>>)
      %dma_wait3A = arith.constant 0 : i32
      %dma_wait3A_48 = tpu.memref_slice %arg5[%add3A, %dma_wait3A] : memref<32x100000xf32, #tpu.memory_space<hbm>> -> memref<1x100000xf32, #tpu.memory_space<hbm>>
      %dma_wait3A_49 = tpu.memref_squeeze %dma_wait3A_48 : memref<1x100000xf32, #tpu.memory_space<hbm>> -> memref<100000xf32, #tpu.memory_space<hbm>>
      %dma_wait3A_50 = arith.constant 0 : i32
      %dma_wait3A_51 = tpu.memref_slice %arg5[%add3A, %dma_wait3A_50] : memref<32x100000xf32, #tpu.memory_space<hbm>> -> memref<1x100000xf32, #tpu.memory_space<hbm>>
      %dma_wait3A_52 = tpu.memref_squeeze %dma_wait3A_51 : memref<1x100000xf32, #tpu.memory_space<hbm>> -> memref<100000xf32, #tpu.memory_space<hbm>>
      tpu.wait_dma2 semaphore(%run_scoped3A : memref<!tpu.dma_semaphore, #tpu.memory_space<semaphore_mem>>) src(%arg6 : memref<100000xf32, #tpu.memory_space<vmem>>) dst(%dma_wait3A_52 : memref<100000xf32, #tpu.memory_space<hbm>>)
      tpu.yield
    }) : () -> ()
    return
  }
}

#map = affine_map<(d0, d1) -> (0)>
module attributes {stable_mosaic.version = 14 : i64} {
  func.func @_k3(%arg0: i32, %arg1: i32, %arg2: memref<100000xi32, #tpu.memory_space<hbm>>, %arg3: memref<3200000xi32, #tpu.memory_space<hbm>>, %arg4: memref<3200000xi32, #tpu.memory_space<hbm>>, %arg5: memref<3200000xf32, #tpu.memory_space<hbm>>, %arg6: memref<3200000xf32, #tpu.memory_space<hbm>>, %arg7: memref<3200000xf32, #tpu.memory_space<hbm>>, %arg8: memref<3200000xf32, #tpu.memory_space<hbm>>, %arg9: memref<3200000xf32, #tpu.memory_space<hbm>>, %arg10: memref<100000xi32, #tpu.memory_space<vmem>>, %arg11: memref<2000xi32, #tpu.memory_space<vmem>>, %arg12: memref<2000xi32, #tpu.memory_space<vmem>>, %arg13: memref<2000xi32, #tpu.memory_space<vmem>>, %arg14: memref<2000xi32, #tpu.memory_space<vmem>>, %arg15: memref<2000xf32, #tpu.memory_space<vmem>>, %arg16: memref<2000xf32, #tpu.memory_space<vmem>>, %arg17: memref<2000xf32, #tpu.memory_space<vmem>>, %arg18: memref<2000xf32, #tpu.memory_space<vmem>>, %arg19: memref<2000xf32, #tpu.memory_space<vmem>>, %arg20: memref<2000xf32, #tpu.memory_space<vmem>>, %arg21: memref<2000xf32, #tpu.memory_space<vmem>>, %arg22: memref<2000xf32, #tpu.memory_space<vmem>>, %arg23: memref<2000xf32, #tpu.memory_space<vmem>>, %arg24: memref<2000xf32, #tpu.memory_space<vmem>>, %arg25: memref<!tpu.dma_semaphore, #tpu.memory_space<semaphore_mem>>, %arg26: memref<!tpu.dma_semaphore, #tpu.memory_space<semaphore_mem>>, %arg27: memref<!tpu.dma_semaphore, #tpu.memory_space<semaphore_mem>>, %arg28: memref<!tpu.dma_semaphore, #tpu.memory_space<semaphore_mem>>) attributes {dimension_semantics = [#tpu.dimension_semantics<core_parallel>, #tpu.dimension_semantics<subcore_parallel>], iteration_bounds = array<i64: 2, 16>, scalar_prefetch = 0 : i64, scratch_operands = 19 : i64, tpu.core_type = #tpu.core_type<sc_vector_subcore>, window_params = [{transform_indices = #map}, {transform_indices = #map}, {transform_indices = #map}, {transform_indices = #map}, {transform_indices = #map}, {transform_indices = #map}, {transform_indices = #map}, {transform_indices = #map}]} {
    %mul3A = arith.constant 2 : i32
    %mul3A_0 = arith.muli %arg1, %mul3A : i32
    %add3A = arith.addi %mul3A_0, %arg0 : i32
    %mul3A_1 = arith.constant 100000 : i32
    %mul3A_2 = arith.muli %add3A, %mul3A_1 : i32
    %add3A_3 = arith.constant 0 : i32
    %add3A_4 = arith.addi %mul3A_2, %add3A_3 : i32
    %dma_start3A = tpu.memref_slice %arg3[%add3A_4] : memref<3200000xi32, #tpu.memory_space<hbm>> -> memref<2000xi32, #tpu.memory_space<hbm>>
    %dma_start3A_5 = tpu.memref_slice %arg3[%add3A_4] : memref<3200000xi32, #tpu.memory_space<hbm>> -> memref<2000xi32, #tpu.memory_space<hbm>>
    tpu.enqueue_dma source(%dma_start3A_5 : memref<2000xi32, #tpu.memory_space<hbm>>) target(%arg11 : memref<2000xi32, #tpu.memory_space<vmem>>) target_semaphore(%arg25 : memref<!tpu.dma_semaphore, #tpu.memory_space<semaphore_mem>>)
    %dma_start3A_6 = tpu.memref_slice %arg4[%add3A_4] : memref<3200000xi32, #tpu.memory_space<hbm>> -> memref<2000xi32, #tpu.memory_space<hbm>>
    %dma_start3A_7 = tpu.memref_slice %arg4[%add3A_4] : memref<3200000xi32, #tpu.memory_space<hbm>> -> memref<2000xi32, #tpu.memory_space<hbm>>
    tpu.enqueue_dma source(%dma_start3A_7 : memref<2000xi32, #tpu.memory_space<hbm>>) target(%arg13 : memref<2000xi32, #tpu.memory_space<vmem>>) target_semaphore(%arg25 : memref<!tpu.dma_semaphore, #tpu.memory_space<semaphore_mem>>)
    %dma_start3A_8 = tpu.memref_slice %arg5[%add3A_4] : memref<3200000xf32, #tpu.memory_space<hbm>> -> memref<2000xf32, #tpu.memory_space<hbm>>
    %dma_start3A_9 = tpu.memref_slice %arg5[%add3A_4] : memref<3200000xf32, #tpu.memory_space<hbm>> -> memref<2000xf32, #tpu.memory_space<hbm>>
    tpu.enqueue_dma source(%dma_start3A_9 : memref<2000xf32, #tpu.memory_space<hbm>>) target(%arg15 : memref<2000xf32, #tpu.memory_space<vmem>>) target_semaphore(%arg25 : memref<!tpu.dma_semaphore, #tpu.memory_space<semaphore_mem>>)
    %dma_start3A_10 = tpu.memref_slice %arg6[%add3A_4] : memref<3200000xf32, #tpu.memory_space<hbm>> -> memref<2000xf32, #tpu.memory_space<hbm>>
    %dma_start3A_11 = tpu.memref_slice %arg6[%add3A_4] : memref<3200000xf32, #tpu.memory_space<hbm>> -> memref<2000xf32, #tpu.memory_space<hbm>>
    tpu.enqueue_dma source(%dma_start3A_11 : memref<2000xf32, #tpu.memory_space<hbm>>) target(%arg17 : memref<2000xf32, #tpu.memory_space<vmem>>) target_semaphore(%arg25 : memref<!tpu.dma_semaphore, #tpu.memory_space<semaphore_mem>>)
    %dma_start3A_12 = tpu.memref_slice %arg7[%add3A_4] : memref<3200000xf32, #tpu.memory_space<hbm>> -> memref<2000xf32, #tpu.memory_space<hbm>>
    %dma_start3A_13 = tpu.memref_slice %arg7[%add3A_4] : memref<3200000xf32, #tpu.memory_space<hbm>> -> memref<2000xf32, #tpu.memory_space<hbm>>
    tpu.enqueue_dma source(%dma_start3A_13 : memref<2000xf32, #tpu.memory_space<hbm>>) target(%arg19 : memref<2000xf32, #tpu.memory_space<vmem>>) target_semaphore(%arg25 : memref<!tpu.dma_semaphore, #tpu.memory_space<semaphore_mem>>)
    %dma_start3A_14 = tpu.memref_slice %arg8[%add3A_4] : memref<3200000xf32, #tpu.memory_space<hbm>> -> memref<2000xf32, #tpu.memory_space<hbm>>
    %dma_start3A_15 = tpu.memref_slice %arg8[%add3A_4] : memref<3200000xf32, #tpu.memory_space<hbm>> -> memref<2000xf32, #tpu.memory_space<hbm>>
    tpu.enqueue_dma source(%dma_start3A_15 : memref<2000xf32, #tpu.memory_space<hbm>>) target(%arg21 : memref<2000xf32, #tpu.memory_space<vmem>>) target_semaphore(%arg25 : memref<!tpu.dma_semaphore, #tpu.memory_space<semaphore_mem>>)
    "tpu.region"() ({
      %run_scoped3A = tpu.sem_alloc : memref<!tpu.dma_semaphore, #tpu.memory_space<semaphore_mem>>
      tpu.enqueue_dma source(%arg2 : memref<100000xi32, #tpu.memory_space<hbm>>) target(%arg10 : memref<100000xi32, #tpu.memory_space<vmem>>) target_semaphore(%run_scoped3A : memref<!tpu.dma_semaphore, #tpu.memory_space<semaphore_mem>>)
      tpu.wait_dma2 semaphore(%run_scoped3A : memref<!tpu.dma_semaphore, #tpu.memory_space<semaphore_mem>>) src(%arg2 : memref<100000xi32, #tpu.memory_space<hbm>>) dst(%arg10 : memref<100000xi32, #tpu.memory_space<vmem>>)
      tpu.yield
    }) : () -> ()
    %scan3A = arith.constant 0 : i32
    %scan3A_16 = arith.constant -65536 : i32
    %scan3A_17 = arith.constant 0 : i32
    %scan3A_18 = arith.constant 25 : i32
    %scan3A_19 = arith.addi %scan3A_17, %scan3A_18 : i32
    %scan3A_20 = arith.constant 1 : i32
    scf.for %scan3A_29 = %scan3A_17 to %scan3A_19 step %scan3A_20  : i32 {
      %mul3A_30 = arith.constant 2 : i32
      %mul3A_31 = arith.muli %mul3A_30, %scan3A_29 : i32
      %add3A_32 = arith.constant 0 : i32
      %add3A_33 = arith.addi %mul3A_31, %add3A_32 : i32
      %add3A_34 = arith.constant 2 : i32
      %add3A_35 = arith.addi %add3A_33, %add3A_34 : i32
      %sub3A = arith.constant 1 : i32
      %sub3A_36 = arith.subi %add3A_35, %sub3A : i32
      %lt3A = arith.constant 50 : i32
      %lt3A_37 = arith.cmpi slt, %sub3A_36, %lt3A : i32
      %convert_element_type3A = arith.extui %lt3A_37 : i1 to i32
      %cond3A = arith.constant 0 : i32
      %cond3A_38 = arith.cmpi ne, %convert_element_type3A, %cond3A : i32
      scf.if %cond3A_38 {
        %mul3A_106 = arith.constant 2000 : i32
        %mul3A_107 = arith.muli %sub3A_36, %mul3A_106 : i32
        %add3A_108 = arith.addi %mul3A_2, %mul3A_107 : i32
        %dma_start3A_109 = tpu.memref_slice %arg3[%add3A_108] : memref<3200000xi32, #tpu.memory_space<hbm>> -> memref<2000xi32, #tpu.memory_space<hbm>>
        %dma_start3A_110 = tpu.memref_slice %arg3[%add3A_108] : memref<3200000xi32, #tpu.memory_space<hbm>> -> memref<2000xi32, #tpu.memory_space<hbm>>
        tpu.enqueue_dma source(%dma_start3A_110 : memref<2000xi32, #tpu.memory_space<hbm>>) target(%arg12 : memref<2000xi32, #tpu.memory_space<vmem>>) target_semaphore(%arg26 : memref<!tpu.dma_semaphore, #tpu.memory_space<semaphore_mem>>)
        %dma_start3A_111 = tpu.memref_slice %arg4[%add3A_108] : memref<3200000xi32, #tpu.memory_space<hbm>> -> memref<2000xi32, #tpu.memory_space<hbm>>
        %dma_start3A_112 = tpu.memref_slice %arg4[%add3A_108] : memref<3200000xi32, #tpu.memory_space<hbm>> -> memref<2000xi32, #tpu.memory_space<hbm>>
        tpu.enqueue_dma source(%dma_start3A_112 : memref<2000xi32, #tpu.memory_space<hbm>>) target(%arg14 : memref<2000xi32, #tpu.memory_space<vmem>>) target_semaphore(%arg26 : memref<!tpu.dma_semaphore, #tpu.memory_space<semaphore_mem>>)
        %dma_start3A_113 = tpu.memref_slice %arg5[%add3A_108] : memref<3200000xf32, #tpu.memory_space<hbm>> -> memref<2000xf32, #tpu.memory_space<hbm>>
        %dma_start3A_114 = tpu.memref_slice %arg5[%add3A_108] : memref<3200000xf32, #tpu.memory_space<hbm>> -> memref<2000xf32, #tpu.memory_space<hbm>>
        tpu.enqueue_dma source(%dma_start3A_114 : memref<2000xf32, #tpu.memory_space<hbm>>) target(%arg16 : memref<2000xf32, #tpu.memory_space<vmem>>) target_semaphore(%arg26 : memref<!tpu.dma_semaphore, #tpu.memory_space<semaphore_mem>>)
        %dma_start3A_115 = tpu.memref_slice %arg6[%add3A_108] : memref<3200000xf32, #tpu.memory_space<hbm>> -> memref<2000xf32, #tpu.memory_space<hbm>>
        %dma_start3A_116 = tpu.memref_slice %arg6[%add3A_108] : memref<3200000xf32, #tpu.memory_space<hbm>> -> memref<2000xf32, #tpu.memory_space<hbm>>
        tpu.enqueue_dma source(%dma_start3A_116 : memref<2000xf32, #tpu.memory_space<hbm>>) target(%arg18 : memref<2000xf32, #tpu.memory_space<vmem>>) target_semaphore(%arg26 : memref<!tpu.dma_semaphore, #tpu.memory_space<semaphore_mem>>)
        %dma_start3A_117 = tpu.memref_slice %arg7[%add3A_108] : memref<3200000xf32, #tpu.memory_space<hbm>> -> memref<2000xf32, #tpu.memory_space<hbm>>
        %dma_start3A_118 = tpu.memref_slice %arg7[%add3A_108] : memref<3200000xf32, #tpu.memory_space<hbm>> -> memref<2000xf32, #tpu.memory_space<hbm>>
        tpu.enqueue_dma source(%dma_start3A_118 : memref<2000xf32, #tpu.memory_space<hbm>>) target(%arg20 : memref<2000xf32, #tpu.memory_space<vmem>>) target_semaphore(%arg26 : memref<!tpu.dma_semaphore, #tpu.memory_space<semaphore_mem>>)
        %dma_start3A_119 = tpu.memref_slice %arg8[%add3A_108] : memref<3200000xf32, #tpu.memory_space<hbm>> -> memref<2000xf32, #tpu.memory_space<hbm>>
        %dma_start3A_120 = tpu.memref_slice %arg8[%add3A_108] : memref<3200000xf32, #tpu.memory_space<hbm>> -> memref<2000xf32, #tpu.memory_space<hbm>>
        tpu.enqueue_dma source(%dma_start3A_120 : memref<2000xf32, #tpu.memory_space<hbm>>) target(%arg22 : memref<2000xf32, #tpu.memory_space<vmem>>) target_semaphore(%arg26 : memref<!tpu.dma_semaphore, #tpu.memory_space<semaphore_mem>>)
      } else {
      }
      %mul3A_39 = arith.constant 2000 : i32
      %mul3A_40 = arith.muli %add3A_33, %mul3A_39 : i32
      %add3A_41 = arith.addi %mul3A_2, %mul3A_40 : i32
      %dma_wait3A_42 = tpu.memref_slice %arg3[%add3A_41] : memref<3200000xi32, #tpu.memory_space<hbm>> -> memref<2000xi32, #tpu.memory_space<hbm>>
      %dma_wait3A_43 = tpu.memref_slice %arg3[%add3A_41] : memref<3200000xi32, #tpu.memory_space<hbm>> -> memref<2000xi32, #tpu.memory_space<hbm>>
      tpu.wait_dma2 semaphore(%arg25 : memref<!tpu.dma_semaphore, #tpu.memory_space<semaphore_mem>>) src(%dma_wait3A_43 : memref<2000xi32, #tpu.memory_space<hbm>>) dst(%arg11 : memref<2000xi32, #tpu.memory_space<vmem>>)
      %dma_wait3A_44 = tpu.memref_slice %arg4[%add3A_41] : memref<3200000xi32, #tpu.memory_space<hbm>> -> memref<2000xi32, #tpu.memory_space<hbm>>
      %dma_wait3A_45 = tpu.memref_slice %arg4[%add3A_41] : memref<3200000xi32, #tpu.memory_space<hbm>> -> memref<2000xi32, #tpu.memory_space<hbm>>
      tpu.wait_dma2 semaphore(%arg25 : memref<!tpu.dma_semaphore, #tpu.memory_space<semaphore_mem>>) src(%dma_wait3A_45 : memref<2000xi32, #tpu.memory_space<hbm>>) dst(%arg13 : memref<2000xi32, #tpu.memory_space<vmem>>)
      %dma_wait3A_46 = tpu.memref_slice %arg5[%add3A_41] : memref<3200000xf32, #tpu.memory_space<hbm>> -> memref<2000xf32, #tpu.memory_space<hbm>>
      %dma_wait3A_47 = tpu.memref_slice %arg5[%add3A_41] : memref<3200000xf32, #tpu.memory_space<hbm>> -> memref<2000xf32, #tpu.memory_space<hbm>>
      tpu.wait_dma2 semaphore(%arg25 : memref<!tpu.dma_semaphore, #tpu.memory_space<semaphore_mem>>) src(%dma_wait3A_47 : memref<2000xf32, #tpu.memory_space<hbm>>) dst(%arg15 : memref<2000xf32, #tpu.memory_space<vmem>>)
      %dma_wait3A_48 = tpu.memref_slice %arg6[%add3A_41] : memref<3200000xf32, #tpu.memory_space<hbm>> -> memref<2000xf32, #tpu.memory_space<hbm>>
      %dma_wait3A_49 = tpu.memref_slice %arg6[%add3A_41] : memref<3200000xf32, #tpu.memory_space<hbm>> -> memref<2000xf32, #tpu.memory_space<hbm>>
      tpu.wait_dma2 semaphore(%arg25 : memref<!tpu.dma_semaphore, #tpu.memory_space<semaphore_mem>>) src(%dma_wait3A_49 : memref<2000xf32, #tpu.memory_space<hbm>>) dst(%arg17 : memref<2000xf32, #tpu.memory_space<vmem>>)
      %dma_wait3A_50 = tpu.memref_slice %arg7[%add3A_41] : memref<3200000xf32, #tpu.memory_space<hbm>> -> memref<2000xf32, #tpu.memory_space<hbm>>
      %dma_wait3A_51 = tpu.memref_slice %arg7[%add3A_41] : memref<3200000xf32, #tpu.memory_space<hbm>> -> memref<2000xf32, #tpu.memory_space<hbm>>
      tpu.wait_dma2 semaphore(%arg25 : memref<!tpu.dma_semaphore, #tpu.memory_space<semaphore_mem>>) src(%dma_wait3A_51 : memref<2000xf32, #tpu.memory_space<hbm>>) dst(%arg19 : memref<2000xf32, #tpu.memory_space<vmem>>)
      %dma_wait3A_52 = tpu.memref_slice %arg8[%add3A_41] : memref<3200000xf32, #tpu.memory_space<hbm>> -> memref<2000xf32, #tpu.memory_space<hbm>>
      %dma_wait3A_53 = tpu.memref_slice %arg8[%add3A_41] : memref<3200000xf32, #tpu.memory_space<hbm>> -> memref<2000xf32, #tpu.memory_space<hbm>>
      tpu.wait_dma2 semaphore(%arg25 : memref<!tpu.dma_semaphore, #tpu.memory_space<semaphore_mem>>) src(%dma_wait3A_53 : memref<2000xf32, #tpu.memory_space<hbm>>) dst(%arg21 : memref<2000xf32, #tpu.memory_space<vmem>>)
      %ge3A = arith.constant 2 : i32
      %ge3A_54 = arith.cmpi sge, %add3A_33, %ge3A : i32
      %convert_element_type3A_55 = arith.extui %ge3A_54 : i1 to i32
      %cond3A_56 = arith.constant 0 : i32
      %cond3A_57 = arith.cmpi ne, %convert_element_type3A_55, %cond3A_56 : i32
      scf.if %cond3A_57 {
        %sub3A_106 = arith.constant 2 : i32
        %sub3A_107 = arith.subi %add3A_33, %sub3A_106 : i32
        %mul3A_108 = arith.constant 2000 : i32
        %mul3A_109 = arith.muli %sub3A_107, %mul3A_108 : i32
        %add3A_110 = arith.addi %mul3A_2, %mul3A_109 : i32
        %dma_wait3A_111 = tpu.memref_slice %arg9[%add3A_110] : memref<3200000xf32, #tpu.memory_space<hbm>> -> memref<2000xf32, #tpu.memory_space<hbm>>
        %dma_wait3A_112 = tpu.memref_slice %arg9[%add3A_110] : memref<3200000xf32, #tpu.memory_space<hbm>> -> memref<2000xf32, #tpu.memory_space<hbm>>
        tpu.wait_dma2 semaphore(%arg27 : memref<!tpu.dma_semaphore, #tpu.memory_space<semaphore_mem>>) src(%arg23 : memref<2000xf32, #tpu.memory_space<vmem>>) dst(%dma_wait3A_112 : memref<2000xf32, #tpu.memory_space<hbm>>)
      } else {
      }
      %parallel_loop3A = arith.constant 0 : i32
      %parallel_loop3A_58 = arith.constant 2000 : i32
      %parallel_loop3A_59 = arith.constant 16 : i32
      scf.for %parallel_loop3A_106 = %parallel_loop3A to %parallel_loop3A_58 step %parallel_loop3A_59  : i32 {
        %parallel_loop3A_107 = arith.index_cast %parallel_loop3A_106 : i32 to index
        %parallel_loop3A_108 = tpu.vector_load %arg11[%parallel_loop3A_107] {strides = array<i32>} : memref<2000xi32, #tpu.memory_space<vmem>>, vector<16xi32>,
        %parallel_loop3A_109 = arith.index_cast %parallel_loop3A_106 : i32 to index
        %parallel_loop3A_110 = tpu.vector_load %arg13[%parallel_loop3A_109] {strides = array<i32>} : memref<2000xi32, #tpu.memory_space<vmem>>, vector<16xi32>,
        %parallel_loop3A_111 = arith.index_cast %parallel_loop3A_106 : i32 to index
        %parallel_loop3A_112 = tpu.vector_load %arg15[%parallel_loop3A_111] {strides = array<i32>} : memref<2000xf32, #tpu.memory_space<vmem>>, vector<16xf32>,
        %parallel_loop3A_113 = arith.index_cast %parallel_loop3A_106 : i32 to index
        %parallel_loop3A_114 = tpu.vector_load %arg17[%parallel_loop3A_113] {strides = array<i32>} : memref<2000xf32, #tpu.memory_space<vmem>>, vector<16xf32>,
        %parallel_loop3A_115 = arith.index_cast %parallel_loop3A_106 : i32 to index
        %parallel_loop3A_116 = tpu.vector_load %arg19[%parallel_loop3A_115] {strides = array<i32>} : memref<2000xf32, #tpu.memory_space<vmem>>, vector<16xf32>,
        %parallel_loop3A_117 = arith.index_cast %parallel_loop3A_106 : i32 to index
        %parallel_loop3A_118 = tpu.vector_load %arg21[%parallel_loop3A_117] {strides = array<i32>} : memref<2000xf32, #tpu.memory_space<vmem>>, vector<16xf32>,
        %parallel_loop3A_119 = tpu.vector_load_idx %arg10[%parallel_loop3A_108] : memref<100000xi32, #tpu.memory_space<vmem>>[vector<16xi32>], vector<16xi32>,
        %parallel_loop3A_120 = tpu.vector_load_idx %arg10[%parallel_loop3A_110] : memref<100000xi32, #tpu.memory_space<vmem>>[vector<16xi32>], vector<16xi32>,
        %parallel_loop3A_121 = vector.broadcast %scan3A_16 : i32 to vector<16xi32>
        %parallel_loop3A_122 = arith.andi %parallel_loop3A_119, %parallel_loop3A_121 : vector<16xi32>
        %parallel_loop3A_123 = vector.bitcast %parallel_loop3A_122 : vector<16xi32> to vector<16xf32>
        %parallel_loop3A_124 = vector.broadcast %scan3A_16 : i32 to vector<16xi32>
        %parallel_loop3A_125 = arith.andi %parallel_loop3A_120, %parallel_loop3A_124 : vector<16xi32>
        %parallel_loop3A_126 = vector.bitcast %parallel_loop3A_125 : vector<16xi32> to vector<16xf32>
        %parallel_loop3A_127 = arith.constant 16 : i32
        %parallel_loop3A_128 = vector.broadcast %parallel_loop3A_127 : i32 to vector<16xi32>
        %parallel_loop3A_129 = arith.shli %parallel_loop3A_119, %parallel_loop3A_128 : vector<16xi32>
        %parallel_loop3A_130 = vector.bitcast %parallel_loop3A_129 : vector<16xi32> to vector<16xf32>
        %parallel_loop3A_131 = arith.constant 16 : i32
        %parallel_loop3A_132 = vector.broadcast %parallel_loop3A_131 : i32 to vector<16xi32>
        %parallel_loop3A_133 = arith.shli %parallel_loop3A_120, %parallel_loop3A_132 : vector<16xi32>
        %parallel_loop3A_134 = vector.bitcast %parallel_loop3A_133 : vector<16xi32> to vector<16xf32>
        %parallel_loop3A_135 = arith.addf %parallel_loop3A_130, %parallel_loop3A_134 : vector<16xf32>
        %parallel_loop3A_136 = arith.constant 3.25526139E-9 : f32
        %parallel_loop3A_137 = vector.broadcast %parallel_loop3A_136 : f32 to vector<16xf32>
        %parallel_loop3A_138 = arith.mulf %parallel_loop3A_137, %parallel_loop3A_112 : vector<16xf32>
        %parallel_loop3A_139 = arith.subf %parallel_loop3A_126, %parallel_loop3A_123 : vector<16xf32>
        %parallel_loop3A_140 = arith.mulf %parallel_loop3A_138, %parallel_loop3A_139 : vector<16xf32>
        %parallel_loop3A_141 = arith.constant 1.000000e-01 : f32
        %parallel_loop3A_142 = vector.broadcast %parallel_loop3A_141 : f32 to vector<16xf32>
        %parallel_loop3A_143 = arith.mulf %parallel_loop3A_142, %parallel_loop3A_114 : vector<16xf32>
        %parallel_loop3A_144 = arith.addf %parallel_loop3A_140, %parallel_loop3A_143 : vector<16xf32>
        %parallel_loop3A_145 = arith.mulf %parallel_loop3A_118, %parallel_loop3A_118 : vector<16xf32>
        %parallel_loop3A_146 = arith.mulf %parallel_loop3A_145, %parallel_loop3A_118 : vector<16xf32>
        %parallel_loop3A_147 = arith.constant 4.44444431E-25 : f32
        %parallel_loop3A_148 = vector.broadcast %parallel_loop3A_147 : f32 to vector<16xf32>
        %parallel_loop3A_149 = arith.mulf %parallel_loop3A_148, %parallel_loop3A_146 : vector<16xf32>
        %parallel_loop3A_150 = arith.mulf %parallel_loop3A_149, %parallel_loop3A_116 : vector<16xf32>
        %parallel_loop3A_151 = arith.subf %parallel_loop3A_144, %parallel_loop3A_150 : vector<16xf32>
        %parallel_loop3A_152 = arith.addf %parallel_loop3A_151, %parallel_loop3A_135 : vector<16xf32>
        %parallel_loop3A_153 = arith.index_cast %parallel_loop3A_106 : i32 to index
        %parallel_loop3A_154 = tpu.vector_load %arg23[%parallel_loop3A_153] {strides = array<i32>} : memref<2000xf32, #tpu.memory_space<vmem>>, vector<16xf32>,
        tpu.vector_store %arg23[%parallel_loop3A_153], %parallel_loop3A_152 {strides = array<i32>} : memref<2000xf32, #tpu.memory_space<vmem>>, vector<16xf32>,
      } {sc.loop_unroll_factor = 5 : i64, sc.parallel_access}
      %mul3A_60 = arith.constant 2000 : i32
      %mul3A_61 = arith.muli %add3A_33, %mul3A_60 : i32
      %add3A_62 = arith.addi %mul3A_2, %mul3A_61 : i32
      %dma_start3A_63 = tpu.memref_slice %arg9[%add3A_62] : memref<3200000xf32, #tpu.memory_space<hbm>> -> memref<2000xf32, #tpu.memory_space<hbm>>
      %dma_start3A_64 = tpu.memref_slice %arg9[%add3A_62] : memref<3200000xf32, #tpu.memory_space<hbm>> -> memref<2000xf32, #tpu.memory_space<hbm>>
      tpu.enqueue_dma source(%arg23 : memref<2000xf32, #tpu.memory_space<vmem>>) target(%dma_start3A_64 : memref<2000xf32, #tpu.memory_space<hbm>>) target_semaphore(%arg27 : memref<!tpu.dma_semaphore, #tpu.memory_space<semaphore_mem>>)
      %mul3A_65 = arith.constant 2 : i32
      %mul3A_66 = arith.muli %mul3A_65, %scan3A_29 : i32
      %add3A_67 = arith.constant 1 : i32
      %add3A_68 = arith.addi %mul3A_66, %add3A_67 : i32
      %add3A_69 = arith.constant 2 : i32
      %add3A_70 = arith.addi %add3A_68, %add3A_69 : i32
      %sub3A_71 = arith.constant 1 : i32
      %sub3A_72 = arith.subi %add3A_70, %sub3A_71 : i32
      %lt3A_73 = arith.constant 50 : i32
      %lt3A_74 = arith.cmpi slt, %sub3A_72, %lt3A_73 : i32
      %convert_element_type3A_75 = arith.extui %lt3A_74 : i1 to i32
      %cond3A_76 = arith.constant 0 : i32
      %cond3A_77 = arith.cmpi ne, %convert_element_type3A_75, %cond3A_76 : i32
      scf.if %cond3A_77 {
        %mul3A_106 = arith.constant 2000 : i32
        %mul3A_107 = arith.muli %sub3A_72, %mul3A_106 : i32
        %add3A_108 = arith.addi %mul3A_2, %mul3A_107 : i32
        %dma_start3A_109 = tpu.memref_slice %arg3[%add3A_108] : memref<3200000xi32, #tpu.memory_space<hbm>> -> memref<2000xi32, #tpu.memory_space<hbm>>
        %dma_start3A_110 = tpu.memref_slice %arg3[%add3A_108] : memref<3200000xi32, #tpu.memory_space<hbm>> -> memref<2000xi32, #tpu.memory_space<hbm>>
        tpu.enqueue_dma source(%dma_start3A_110 : memref<2000xi32, #tpu.memory_space<hbm>>) target(%arg11 : memref<2000xi32, #tpu.memory_space<vmem>>) target_semaphore(%arg25 : memref<!tpu.dma_semaphore, #tpu.memory_space<semaphore_mem>>)
        %dma_start3A_111 = tpu.memref_slice %arg4[%add3A_108] : memref<3200000xi32, #tpu.memory_space<hbm>> -> memref<2000xi32, #tpu.memory_space<hbm>>
        %dma_start3A_112 = tpu.memref_slice %arg4[%add3A_108] : memref<3200000xi32, #tpu.memory_space<hbm>> -> memref<2000xi32, #tpu.memory_space<hbm>>
        tpu.enqueue_dma source(%dma_start3A_112 : memref<2000xi32, #tpu.memory_space<hbm>>) target(%arg13 : memref<2000xi32, #tpu.memory_space<vmem>>) target_semaphore(%arg25 : memref<!tpu.dma_semaphore, #tpu.memory_space<semaphore_mem>>)
        %dma_start3A_113 = tpu.memref_slice %arg5[%add3A_108] : memref<3200000xf32, #tpu.memory_space<hbm>> -> memref<2000xf32, #tpu.memory_space<hbm>>
        %dma_start3A_114 = tpu.memref_slice %arg5[%add3A_108] : memref<3200000xf32, #tpu.memory_space<hbm>> -> memref<2000xf32, #tpu.memory_space<hbm>>
        tpu.enqueue_dma source(%dma_start3A_114 : memref<2000xf32, #tpu.memory_space<hbm>>) target(%arg15 : memref<2000xf32, #tpu.memory_space<vmem>>) target_semaphore(%arg25 : memref<!tpu.dma_semaphore, #tpu.memory_space<semaphore_mem>>)
        %dma_start3A_115 = tpu.memref_slice %arg6[%add3A_108] : memref<3200000xf32, #tpu.memory_space<hbm>> -> memref<2000xf32, #tpu.memory_space<hbm>>
        %dma_start3A_116 = tpu.memref_slice %arg6[%add3A_108] : memref<3200000xf32, #tpu.memory_space<hbm>> -> memref<2000xf32, #tpu.memory_space<hbm>>
        tpu.enqueue_dma source(%dma_start3A_116 : memref<2000xf32, #tpu.memory_space<hbm>>) target(%arg17 : memref<2000xf32, #tpu.memory_space<vmem>>) target_semaphore(%arg25 : memref<!tpu.dma_semaphore, #tpu.memory_space<semaphore_mem>>)
        %dma_start3A_117 = tpu.memref_slice %arg7[%add3A_108] : memref<3200000xf32, #tpu.memory_space<hbm>> -> memref<2000xf32, #tpu.memory_space<hbm>>
        %dma_start3A_118 = tpu.memref_slice %arg7[%add3A_108] : memref<3200000xf32, #tpu.memory_space<hbm>> -> memref<2000xf32, #tpu.memory_space<hbm>>
        tpu.enqueue_dma source(%dma_start3A_118 : memref<2000xf32, #tpu.memory_space<hbm>>) target(%arg19 : memref<2000xf32, #tpu.memory_space<vmem>>) target_semaphore(%arg25 : memref<!tpu.dma_semaphore, #tpu.memory_space<semaphore_mem>>)
        %dma_start3A_119 = tpu.memref_slice %arg8[%add3A_108] : memref<3200000xf32, #tpu.memory_space<hbm>> -> memref<2000xf32, #tpu.memory_space<hbm>>
        %dma_start3A_120 = tpu.memref_slice %arg8[%add3A_108] : memref<3200000xf32, #tpu.memory_space<hbm>> -> memref<2000xf32, #tpu.memory_space<hbm>>
        tpu.enqueue_dma source(%dma_start3A_120 : memref<2000xf32, #tpu.memory_space<hbm>>) target(%arg21 : memref<2000xf32, #tpu.memory_space<vmem>>) target_semaphore(%arg25 : memref<!tpu.dma_semaphore, #tpu.memory_space<semaphore_mem>>)
      } else {
      }
      %mul3A_78 = arith.constant 2000 : i32
      %mul3A_79 = arith.muli %add3A_68, %mul3A_78 : i32
      %add3A_80 = arith.addi %mul3A_2, %mul3A_79 : i32
      %dma_wait3A_81 = tpu.memref_slice %arg3[%add3A_80] : memref<3200000xi32, #tpu.memory_space<hbm>> -> memref<2000xi32, #tpu.memory_space<hbm>>
      %dma_wait3A_82 = tpu.memref_slice %arg3[%add3A_80] : memref<3200000xi32, #tpu.memory_space<hbm>> -> memref<2000xi32, #tpu.memory_space<hbm>>
      tpu.wait_dma2 semaphore(%arg26 : memref<!tpu.dma_semaphore, #tpu.memory_space<semaphore_mem>>) src(%dma_wait3A_82 : memref<2000xi32, #tpu.memory_space<hbm>>) dst(%arg12 : memref<2000xi32, #tpu.memory_space<vmem>>)
      %dma_wait3A_83 = tpu.memref_slice %arg4[%add3A_80] : memref<3200000xi32, #tpu.memory_space<hbm>> -> memref<2000xi32, #tpu.memory_space<hbm>>
      %dma_wait3A_84 = tpu.memref_slice %arg4[%add3A_80] : memref<3200000xi32, #tpu.memory_space<hbm>> -> memref<2000xi32, #tpu.memory_space<hbm>>
      tpu.wait_dma2 semaphore(%arg26 : memref<!tpu.dma_semaphore, #tpu.memory_space<semaphore_mem>>) src(%dma_wait3A_84 : memref<2000xi32, #tpu.memory_space<hbm>>) dst(%arg14 : memref<2000xi32, #tpu.memory_space<vmem>>)
      %dma_wait3A_85 = tpu.memref_slice %arg5[%add3A_80] : memref<3200000xf32, #tpu.memory_space<hbm>> -> memref<2000xf32, #tpu.memory_space<hbm>>
      %dma_wait3A_86 = tpu.memref_slice %arg5[%add3A_80] : memref<3200000xf32, #tpu.memory_space<hbm>> -> memref<2000xf32, #tpu.memory_space<hbm>>
      tpu.wait_dma2 semaphore(%arg26 : memref<!tpu.dma_semaphore, #tpu.memory_space<semaphore_mem>>) src(%dma_wait3A_86 : memref<2000xf32, #tpu.memory_space<hbm>>) dst(%arg16 : memref<2000xf32, #tpu.memory_space<vmem>>)
      %dma_wait3A_87 = tpu.memref_slice %arg6[%add3A_80] : memref<3200000xf32, #tpu.memory_space<hbm>> -> memref<2000xf32, #tpu.memory_space<hbm>>
      %dma_wait3A_88 = tpu.memref_slice %arg6[%add3A_80] : memref<3200000xf32, #tpu.memory_space<hbm>> -> memref<2000xf32, #tpu.memory_space<hbm>>
      tpu.wait_dma2 semaphore(%arg26 : memref<!tpu.dma_semaphore, #tpu.memory_space<semaphore_mem>>) src(%dma_wait3A_88 : memref<2000xf32, #tpu.memory_space<hbm>>) dst(%arg18 : memref<2000xf32, #tpu.memory_space<vmem>>)
      %dma_wait3A_89 = tpu.memref_slice %arg7[%add3A_80] : memref<3200000xf32, #tpu.memory_space<hbm>> -> memref<2000xf32, #tpu.memory_space<hbm>>
      %dma_wait3A_90 = tpu.memref_slice %arg7[%add3A_80] : memref<3200000xf32, #tpu.memory_space<hbm>> -> memref<2000xf32, #tpu.memory_space<hbm>>
      tpu.wait_dma2 semaphore(%arg26 : memref<!tpu.dma_semaphore, #tpu.memory_space<semaphore_mem>>) src(%dma_wait3A_90 : memref<2000xf32, #tpu.memory_space<hbm>>) dst(%arg20 : memref<2000xf32, #tpu.memory_space<vmem>>)
      %dma_wait3A_91 = tpu.memref_slice %arg8[%add3A_80] : memref<3200000xf32, #tpu.memory_space<hbm>> -> memref<2000xf32, #tpu.memory_space<hbm>>
      %dma_wait3A_92 = tpu.memref_slice %arg8[%add3A_80] : memref<3200000xf32, #tpu.memory_space<hbm>> -> memref<2000xf32, #tpu.memory_space<hbm>>
      tpu.wait_dma2 semaphore(%arg26 : memref<!tpu.dma_semaphore, #tpu.memory_space<semaphore_mem>>) src(%dma_wait3A_92 : memref<2000xf32, #tpu.memory_space<hbm>>) dst(%arg22 : memref<2000xf32, #tpu.memory_space<vmem>>)
      %ge3A_93 = arith.constant 2 : i32
      %ge3A_94 = arith.cmpi sge, %add3A_68, %ge3A_93 : i32
      %convert_element_type3A_95 = arith.extui %ge3A_94 : i1 to i32
      %cond3A_96 = arith.constant 0 : i32
      %cond3A_97 = arith.cmpi ne, %convert_element_type3A_95, %cond3A_96 : i32
      scf.if %cond3A_97 {
        %sub3A_106 = arith.constant 2 : i32
        %sub3A_107 = arith.subi %add3A_68, %sub3A_106 : i32
        %mul3A_108 = arith.constant 2000 : i32
        %mul3A_109 = arith.muli %sub3A_107, %mul3A_108 : i32
        %add3A_110 = arith.addi %mul3A_2, %mul3A_109 : i32
        %dma_wait3A_111 = tpu.memref_slice %arg9[%add3A_110] : memref<3200000xf32, #tpu.memory_space<hbm>> -> memref<2000xf32, #tpu.memory_space<hbm>>
        %dma_wait3A_112 = tpu.memref_slice %arg9[%add3A_110] : memref<3200000xf32, #tpu.memory_space<hbm>> -> memref<2000xf32, #tpu.memory_space<hbm>>
        tpu.wait_dma2 semaphore(%arg28 : memref<!tpu.dma_semaphore, #tpu.memory_space<semaphore_mem>>) src(%arg24 : memref<2000xf32, #tpu.memory_space<vmem>>) dst(%dma_wait3A_112 : memref<2000xf32, #tpu.memory_space<hbm>>)
      } else {
      }
      %parallel_loop3A_98 = arith.constant 0 : i32
      %parallel_loop3A_99 = arith.constant 2000 : i32
      %parallel_loop3A_100 = arith.constant 16 : i32
      scf.for %parallel_loop3A_106 = %parallel_loop3A_98 to %parallel_loop3A_99 step %parallel_loop3A_100  : i32 {
        %parallel_loop3A_107 = arith.index_cast %parallel_loop3A_106 : i32 to index
        %parallel_loop3A_108 = tpu.vector_load %arg12[%parallel_loop3A_107] {strides = array<i32>} : memref<2000xi32, #tpu.memory_space<vmem>>, vector<16xi32>,
        %parallel_loop3A_109 = arith.index_cast %parallel_loop3A_106 : i32 to index
        %parallel_loop3A_110 = tpu.vector_load %arg14[%parallel_loop3A_109] {strides = array<i32>} : memref<2000xi32, #tpu.memory_space<vmem>>, vector<16xi32>,
        %parallel_loop3A_111 = arith.index_cast %parallel_loop3A_106 : i32 to index
        %parallel_loop3A_112 = tpu.vector_load %arg16[%parallel_loop3A_111] {strides = array<i32>} : memref<2000xf32, #tpu.memory_space<vmem>>, vector<16xf32>,
        %parallel_loop3A_113 = arith.index_cast %parallel_loop3A_106 : i32 to index
        %parallel_loop3A_114 = tpu.vector_load %arg18[%parallel_loop3A_113] {strides = array<i32>} : memref<2000xf32, #tpu.memory_space<vmem>>, vector<16xf32>,
        %parallel_loop3A_115 = arith.index_cast %parallel_loop3A_106 : i32 to index
        %parallel_loop3A_116 = tpu.vector_load %arg20[%parallel_loop3A_115] {strides = array<i32>} : memref<2000xf32, #tpu.memory_space<vmem>>, vector<16xf32>,
        %parallel_loop3A_117 = arith.index_cast %parallel_loop3A_106 : i32 to index
        %parallel_loop3A_118 = tpu.vector_load %arg22[%parallel_loop3A_117] {strides = array<i32>} : memref<2000xf32, #tpu.memory_space<vmem>>, vector<16xf32>,
        %parallel_loop3A_119 = tpu.vector_load_idx %arg10[%parallel_loop3A_108] : memref<100000xi32, #tpu.memory_space<vmem>>[vector<16xi32>], vector<16xi32>,
        %parallel_loop3A_120 = tpu.vector_load_idx %arg10[%parallel_loop3A_110] : memref<100000xi32, #tpu.memory_space<vmem>>[vector<16xi32>], vector<16xi32>,
        %parallel_loop3A_121 = vector.broadcast %scan3A_16 : i32 to vector<16xi32>
        %parallel_loop3A_122 = arith.andi %parallel_loop3A_119, %parallel_loop3A_121 : vector<16xi32>
        %parallel_loop3A_123 = vector.bitcast %parallel_loop3A_122 : vector<16xi32> to vector<16xf32>
        %parallel_loop3A_124 = vector.broadcast %scan3A_16 : i32 to vector<16xi32>
        %parallel_loop3A_125 = arith.andi %parallel_loop3A_120, %parallel_loop3A_124 : vector<16xi32>
        %parallel_loop3A_126 = vector.bitcast %parallel_loop3A_125 : vector<16xi32> to vector<16xf32>
        %parallel_loop3A_127 = arith.constant 16 : i32
        %parallel_loop3A_128 = vector.broadcast %parallel_loop3A_127 : i32 to vector<16xi32>
        %parallel_loop3A_129 = arith.shli %parallel_loop3A_119, %parallel_loop3A_128 : vector<16xi32>
        %parallel_loop3A_130 = vector.bitcast %parallel_loop3A_129 : vector<16xi32> to vector<16xf32>
        %parallel_loop3A_131 = arith.constant 16 : i32
        %parallel_loop3A_132 = vector.broadcast %parallel_loop3A_131 : i32 to vector<16xi32>
        %parallel_loop3A_133 = arith.shli %parallel_loop3A_120, %parallel_loop3A_132 : vector<16xi32>
        %parallel_loop3A_134 = vector.bitcast %parallel_loop3A_133 : vector<16xi32> to vector<16xf32>
        %parallel_loop3A_135 = arith.addf %parallel_loop3A_130, %parallel_loop3A_134 : vector<16xf32>
        %parallel_loop3A_136 = arith.constant 3.25526139E-9 : f32
        %parallel_loop3A_137 = vector.broadcast %parallel_loop3A_136 : f32 to vector<16xf32>
        %parallel_loop3A_138 = arith.mulf %parallel_loop3A_137, %parallel_loop3A_112 : vector<16xf32>
        %parallel_loop3A_139 = arith.subf %parallel_loop3A_126, %parallel_loop3A_123 : vector<16xf32>
        %parallel_loop3A_140 = arith.mulf %parallel_loop3A_138, %parallel_loop3A_139 : vector<16xf32>
        %parallel_loop3A_141 = arith.constant 1.000000e-01 : f32
        %parallel_loop3A_142 = vector.broadcast %parallel_loop3A_141 : f32 to vector<16xf32>
        %parallel_loop3A_143 = arith.mulf %parallel_loop3A_142, %parallel_loop3A_114 : vector<16xf32>
        %parallel_loop3A_144 = arith.addf %parallel_loop3A_140, %parallel_loop3A_143 : vector<16xf32>
        %parallel_loop3A_145 = arith.mulf %parallel_loop3A_118, %parallel_loop3A_118 : vector<16xf32>
        %parallel_loop3A_146 = arith.mulf %parallel_loop3A_145, %parallel_loop3A_118 : vector<16xf32>
        %parallel_loop3A_147 = arith.constant 4.44444431E-25 : f32
        %parallel_loop3A_148 = vector.broadcast %parallel_loop3A_147 : f32 to vector<16xf32>
        %parallel_loop3A_149 = arith.mulf %parallel_loop3A_148, %parallel_loop3A_146 : vector<16xf32>
        %parallel_loop3A_150 = arith.mulf %parallel_loop3A_149, %parallel_loop3A_116 : vector<16xf32>
        %parallel_loop3A_151 = arith.subf %parallel_loop3A_144, %parallel_loop3A_150 : vector<16xf32>
        %parallel_loop3A_152 = arith.addf %parallel_loop3A_151, %parallel_loop3A_135 : vector<16xf32>
        %parallel_loop3A_153 = arith.index_cast %parallel_loop3A_106 : i32 to index
        %parallel_loop3A_154 = tpu.vector_load %arg24[%parallel_loop3A_153] {strides = array<i32>} : memref<2000xf32, #tpu.memory_space<vmem>>, vector<16xf32>,
        tpu.vector_store %arg24[%parallel_loop3A_153], %parallel_loop3A_152 {strides = array<i32>} : memref<2000xf32, #tpu.memory_space<vmem>>, vector<16xf32>,
      } {sc.loop_unroll_factor = 5 : i64, sc.parallel_access}
      %mul3A_101 = arith.constant 2000 : i32
      %mul3A_102 = arith.muli %add3A_68, %mul3A_101 : i32
      %add3A_103 = arith.addi %mul3A_2, %mul3A_102 : i32
      %dma_start3A_104 = tpu.memref_slice %arg9[%add3A_103] : memref<3200000xf32, #tpu.memory_space<hbm>> -> memref<2000xf32, #tpu.memory_space<hbm>>
      %dma_start3A_105 = tpu.memref_slice %arg9[%add3A_103] : memref<3200000xf32, #tpu.memory_space<hbm>> -> memref<2000xf32, #tpu.memory_space<hbm>>
      tpu.enqueue_dma source(%arg24 : memref<2000xf32, #tpu.memory_space<vmem>>) target(%dma_start3A_105 : memref<2000xf32, #tpu.memory_space<hbm>>) target_semaphore(%arg28 : memref<!tpu.dma_semaphore, #tpu.memory_space<semaphore_mem>>)
    }
    %scan3A_21 = arith.constant 25 : i32
    %add3A_22 = arith.constant 96000 : i32
    %add3A_23 = arith.addi %mul3A_2, %add3A_22 : i32
    %dma_wait3A = tpu.memref_slice %arg9[%add3A_23] : memref<3200000xf32, #tpu.memory_space<hbm>> -> memref<2000xf32, #tpu.memory_space<hbm>>
    %dma_wait3A_24 = tpu.memref_slice %arg9[%add3A_23] : memref<3200000xf32, #tpu.memory_space<hbm>> -> memref<2000xf32, #tpu.memory_space<hbm>>
    tpu.wait_dma2 semaphore(%arg27 : memref<!tpu.dma_semaphore, #tpu.memory_space<semaphore_mem>>) src(%arg23 : memref<2000xf32, #tpu.memory_space<vmem>>) dst(%dma_wait3A_24 : memref<2000xf32, #tpu.memory_space<hbm>>)
    %add3A_25 = arith.constant 98000 : i32
    %add3A_26 = arith.addi %mul3A_2, %add3A_25 : i32
    %dma_wait3A_27 = tpu.memref_slice %arg9[%add3A_26] : memref<3200000xf32, #tpu.memory_space<hbm>> -> memref<2000xf32, #tpu.memory_space<hbm>>
    %dma_wait3A_28 = tpu.memref_slice %arg9[%add3A_26] : memref<3200000xf32, #tpu.memory_space<hbm>> -> memref<2000xf32, #tpu.memory_space<hbm>>
    tpu.wait_dma2 semaphore(%arg28 : memref<!tpu.dma_semaphore, #tpu.memory_space<semaphore_mem>>) src(%arg24 : memref<2000xf32, #tpu.memory_space<vmem>>) dst(%dma_wait3A_28 : memref<2000xf32, #tpu.memory_space<hbm>>)
    return
  }
}

module attributes {stable_mosaic.version = 14 : i64} {
  func.func @_pack_body(%arg0: memref<32x8x12500xf32, #tpu.memory_space<vmem>>, %arg1: memref<8x12500xf32, #tpu.memory_space<vmem>>, %arg2: memref<8x12500xf32, #tpu.memory_space<vmem>>, %arg3: memref<8x12500xf32, #tpu.memory_space<vmem>>, %arg4: memref<8x12500xi32, #tpu.memory_space<vmem>>) attributes {dimension_semantics = [], scalar_prefetch = 0 : i64, scratch_operands = 0 : i64, tpu.core_type = #tpu.core_type<tc>} {
    %get3A = arith.constant 0 : index
    %get3A_0 = arith.constant 0 : index
    %get3A_1 = arith.constant 0 : index
    %get3A_2 = vector.load %arg0[%get3A, %get3A_0, %get3A_1] : memref<32x8x12500xf32, #tpu.memory_space<vmem>>, vector<32x8x12500xf32>
    %reduce_sum3A = arith.constant dense<0.000000e+00> : vector<8x12500xf32>
    %reduce_sum3A_3 = vector.multi_reduction <add>, %get3A_2, %reduce_sum3A [0] : vector<32x8x12500xf32> to vector<8x12500xf32>
    %get3A_4 = arith.constant 0 : index
    %get3A_5 = arith.constant 0 : index
    %get3A_6 = vector.load %arg1[%get3A_4, %get3A_5] : memref<8x12500xf32, #tpu.memory_space<vmem>>, vector<8x12500xf32>
    %add3A = arith.addf %reduce_sum3A_3, %get3A_6 : vector<8x12500xf32>
    %get3A_7 = arith.constant 0 : index
    %get3A_8 = arith.constant 0 : index
    %get3A_9 = vector.load %arg2[%get3A_7, %get3A_8] : memref<8x12500xf32, #tpu.memory_space<vmem>>, vector<8x12500xf32>
    %mul3A = arith.constant 9.810000e+03 : f32
    %mul3A_10 = vector.broadcast %mul3A : f32 to vector<8x12500xf32>
    %mul3A_11 = arith.mulf %mul3A_10, %get3A_9 : vector<8x12500xf32>
    %get3A_12 = arith.constant 0 : index
    %get3A_13 = arith.constant 0 : index
    %get3A_14 = vector.load %arg3[%get3A_12, %get3A_13] : memref<8x12500xf32, #tpu.memory_space<vmem>>, vector<8x12500xf32>
    %add3A_15 = arith.addf %mul3A_11, %get3A_14 : vector<8x12500xf32>
    %convert_element_type3A = arith.truncf %add3A_15 : vector<8x12500xf32> to vector<8x12500xbf16>
    %bitcast_convert_type3A = tpu.bitcast %convert_element_type3A : vector<8x12500xbf16> -> vector<8x12500xi16>
    %convert_element_type3A_16 = arith.extui %bitcast_convert_type3A : vector<8x12500xi16> to vector<8x12500xi32>
    %mul3A_17 = arith.constant 5.000000e-01 : f32
    %mul3A_18 = vector.broadcast %mul3A_17 : f32 to vector<8x12500xf32>
    %mul3A_19 = arith.mulf %mul3A_18, %add3A : vector<8x12500xf32>
    %convert_element_type3A_20 = arith.truncf %mul3A_19 : vector<8x12500xf32> to vector<8x12500xbf16>
    %bitcast_convert_type3A_21 = tpu.bitcast %convert_element_type3A_20 : vector<8x12500xbf16> -> vector<8x12500xi16>
    %convert_element_type3A_22 = arith.extui %bitcast_convert_type3A_21 : vector<8x12500xi16> to vector<8x12500xi32>
    %shift_left3A = arith.constant 16 : i32
    %shift_left3A_23 = vector.broadcast %shift_left3A : i32 to vector<8x12500xi32>
    %shift_left3A_24 = arith.shli %convert_element_type3A_16, %shift_left3A_23 : vector<8x12500xi32>
    %or3A = arith.ori %shift_left3A_24, %convert_element_type3A_22 : vector<8x12500xi32>
    %swap3A = arith.constant 0 : index
    %swap3A_25 = arith.constant 0 : index
    %swap3A_26 = vector.load %arg4[%swap3A, %swap3A_25] : memref<8x12500xi32, #tpu.memory_space<vmem>>, vector<8x12500xi32>
    tpu.vector_store %arg4[%swap3A, %swap3A_25], %or3A {strides = array<i32>} : memref<8x12500xi32, #tpu.memory_space<vmem>>, vector<8x12500xi32>,
    return
  }
}

</mosaic_0001>

<sc_bundles>
// kernel: kernel.5.cloned.1.call-start
scs
__scs_entry_jumppad:
0x0: {  	(pc) =	sbr.rel $0x88, $3  }
0x1: {  	(tag) =	ssettag $0x0;
	lr =	simm.s32 $0x1  }
0x2: {  	[smem:$0x3F98] =	sst lr;
	_ =	strace $0xD0000000  }
0x3: {  	_ = 	snop  }
0x4: {  	_ = 	snop  }
0x5: {  	_ = 	snop  }
0x6: {  	_ = 	snop  }
0x7: {  	_ = 	snop  }
__scs_overlays_trampoline_lowered:
0x8: {  	[smem:$0x3FA7] =	sst s0  }
0x9: {  	[smem:$0x3FA8] =	sst s1  }
0xa: {  	[smem:$0x3FA9] =	sst s2  }
0xb: {  	[smem:$0x3FAA] =	sst s3  }
0xc: {  	[smem:$0x3FAB] =	sst s4  }
0xd: {  	[smem:$0x3FAC] =	sst s5  }
0xe: {  	[smem:$0x3FAD] =	sst s6  }
0xf: {  	[smem:$0x3FAE] =	sst s7  }
0x10: {  	[smem:$0x3FAF] =	sst s8  }
0x11: {  	[smem:$0x3FB0] =	sst s9;
	s0 =	simm.s32 @!p0 $0x0  }
0x12: {  	s1 =	sld [smem:$0x3F96];
	s0 =	simm.s32 @p0 $0x1  }
0x13: {  	[smem:$0x3FB1] =	sst s0;
	s0 =	simm.s32 @!p1 $0x0  }
0x14: {  	s2 =	sld [smem:$0x3F95];
	s0 =	simm.s32 @p1 $0x1  }
0x15: {  	[smem:$0x3FB2] =	sst s0;
	s0 =	simm.s32 @!p2 $0x0  }
0x16: {  	s3 =	sld [smem:$0x3FDB];
	s0 =	simm.s32 @p2 $0x1  }
0x17: {  	s4 =	simm.s32 $0x1BF5;
	[smem:$0x3FB4] =	sst s0  }
0x18: {  	s0 =	sld [smem:$0x3F97];
	_ =	swait.ge [sflag:s4], $0x0  }
0x19: {  	s7 =	sld [smem:$0x3F98]  }
0x1a: {  	s8 =	sadd.s32 $0xFFFFE003, lr  }
0x1b: {  	s9 =	sadd.s32 $0xFFFFFEF7, lr;
	s5 =	simm.s32 $0xFFFFFFFF;
	p2 =	slt.u32 s8, $0xFFFFF086  }
0x1c: {  	p1 =	slt.u32 s9, $0xF7A;
	s5 =	simm.s32 @!p2 $0x0  }
0x1d: {  	s5 =	simm.s32 @p1 $0x1;
	p0 =	seq.s32 s7, s2  }
0x1e: {  	s7 =	smul.u32 @!p0 $0xF7A, s2;
	p2 =	seq.s32 @!p0 s5, $0x0  }
0x1f: {  	s9 =	smul.u32 $0xF7A, s1;
	s8 =	simm.s32 @!p0 $0x1BF5;
	p2 =	por !p2, p0  }
0x20: {  	[sflag:s8] =	ssyncset.s32 @!p0 $0xFFFFF086;
	s6 =	sadd.s32 @!p0 s3, s7;
	s7 =	simm.s32 @!p0 $0x108  }
0x21: {  	s3 =	sadd.s32 s3, s9;
	s6 =	sadd.s32 @!p0 $0x88, s6;
	s7 =	simm.s32 @p2 $0x1082  }
0x22: {  	[simem:s7], [sflag:s8] =	dma.local @!p0 [hbm:s6], $0xF7A  }
0x23: {  	s9 =	sor.u32 $0xD0000000, s2;
	s6 =	simm.s32 $0x108;
	_ =	swait.ge @!p0 [sflag:s8], $0x0  }
0x24: {  	s3 =	sadd.s32 $0x88, s3;
	s6 =	simm.s32 @!p1 $0x1082;
	[sflag:s4] =	ssyncset.s32 $0xFFFFF086  }
0x25: {  	[simem:s6], [sflag:s4] =	dma.local [hbm:s3], $0xF7A  }
0x26: {  	[smem:$0x3F98] =	sst s1;
	(tag) =	ssettag s2;
	_ =	strace s9  }
0x27: {  	s1 =	sld [smem:$0x3FA8]  }
0x28: {  	s2 =	sld [smem:$0x3FA9]  }
0x29: {  	s4 =	sld [smem:$0x3FAB]  }
0x2a: {  	p0 =	seq.s32 s5, $0x0;
	s5 =	sld [smem:$0x3FAC]  }
0x2b: {  	s6 =	sld [smem:$0x3FAD]  }
0x2c: {  	s7 =	sld [smem:$0x3FAE]  }
0x2d: {  	s3 =	simm.s32 $0x108;
	s8 =	sld [smem:$0x3FAF]  }
0x2e: {  	s3 =	simm.s32 @!p0 $0x1082;
	s9 =	sld [smem:$0x3FB0]  }
0x2f: {  	lr =	sadd.s32 s0, s3;
	s0 =	sld [smem:$0x3FA7]  }
0x30: {  	s3 =	sld [smem:$0x3FAA]  }
0x31: {  	[smem:$0x3FB3] =	sst s10  }
0x32: {  	s10 =	sld [smem:$0x3FB1];
	_ =	sdelay $0x3  }
0x33: {  	p0 =	seq.s32 s10, $0x1;
	s10 =	sld [smem:$0x3FB3];
	_ =	sdelay $0x3  }
0x34: {  	[smem:$0x3FB3] =	sst s10  }
0x35: {  	s10 =	sld [smem:$0x3FB2];
	_ =	sdelay $0x3  }
0x36: {  	p1 =	seq.s32 s10, $0x1;
	s10 =	sld [smem:$0x3FB3];
	_ =	sdelay $0x3  }
0x37: {  	[smem:$0x3FB3] =	sst s10  }
0x38: {  	s10 =	sld [smem:$0x3FB4]  }
0x39: {  	_ = 	snop;
	(pc) =	sbr.ind lr, $3  }
0x3a: {  	_ = 	snop  }
0x3b: {  	_ = 	snop  }
0x3c: {  	p2 =	seq.s32 s10, $0x1;
	s10 =	sld [smem:$0x3FB3]  }
0x3d: {  	_ =	shalt  }
0x3e: {  	_ =	shalt  }
0x3f: {  	_ =	shalt  }
0x40: {  	_ =	shalt  }
0x41: {  	_ =	shalt  }
0x42: {  	_ =	shalt  }
0x43: {  	_ =	shalt  }
0x44: {  	_ =	shalt  }
0x45: {  	_ =	shalt  }
0x46: {  	_ =	shalt  }
0x47: {  	_ =	shalt  }
0x48: {  	_ =	shalt  }
0x49: {  	_ =	shalt  }
0x4a: {  	_ =	shalt  }
0x4b: {  	_ =	shalt  }
0x4c: {  	_ =	shalt  }
0x4d: {  	_ =	shalt  }
0x4e: {  	_ =	shalt  }
0x4f: {  	_ =	shalt  }
0x50: {  	_ =	shalt  }
0x51: {  	_ =	shalt  }
0x52: {  	_ =	shalt  }
0x53: {  	_ =	shalt  }
0x54: {  	_ =	shalt  }
0x55: {  	_ =	shalt  }
0x56: {  	_ =	shalt  }
0x57: {  	_ =	shalt  }
0x58: {  	_ =	shalt  }
0x59: {  	_ =	shalt  }
0x5a: {  	_ =	shalt  }
0x5b: {  	_ =	shalt  }
0x5c: {  	_ =	shalt  }
0x5d: {  	_ =	shalt  }
0x5e: {  	_ =	shalt  }
0x5f: {  	_ =	shalt  }
0x60: {  	_ =	shalt  }
0x61: {  	_ =	shalt  }
0x62: {  	_ =	shalt  }
0x63: {  	_ =	shalt  }
0x64: {  	_ =	shalt  }
0x65: {  	_ =	shalt  }
0x66: {  	_ =	shalt  }
0x67: {  	_ =	shalt  }
0x68: {  	_ =	shalt  }
0x69: {  	_ =	shalt  }
0x6a: {  	_ =	shalt  }
0x6b: {  	_ =	shalt  }
0x6c: {  	_ =	shalt  }
0x6d: {  	_ =	shalt  }
0x6e: {  	_ =	shalt  }
0x6f: {  	_ =	shalt  }
0x70: {  	_ =	shalt  }
0x71: {  	_ =	shalt  }
0x72: {  	_ =	shalt  }
0x73: {  	_ =	shalt  }
0x74: {  	_ =	shalt  }
0x75: {  	_ =	shalt  }
0x76: {  	_ =	shalt  }
0x77: {  	_ =	shalt  }
0x78: {  	_ =	shalt  }
0x79: {  	_ =	shalt  }
0x7a: {  	_ =	shalt  }
0x7b: {  	_ =	shalt  }
0x7c: {  	_ =	shalt  }
0x7d: {  	_ =	shalt  }
0x7e: {  	_ =	shalt  }
0x7f: {  	_ =	shalt  }
0x80: {  	_ =	shalt  }
0x81: {  	_ =	shalt  }
0x82: {  	_ =	shalt  }
0x83: {  	_ =	shalt  }
0x84: {  	_ =	shalt  }
0x85: {  	_ =	shalt  }
0x86: {  	_ =	shalt  }
0x87: {  	_ =	shalt  }
.Lfunc_end0:
.L_simem_size_0:
called_computation_lowered:
.L_overlay_start_0:
0x88: {  	s2 =	sld [smem:$0x3FD9]  }
0x89: {  	s3 =	sld [smem:$0x3FFE];
	_ =	sdelay $0x1  }
0x8a: {  	s1 =	srdreg.scid  }
0x8b: {  	s0 =	sand.u32 $0x1, s1  }
0x8c: {  	s17 =	sshll.u32 s0, $0xA;
	s2 =	sadd.s32 s3, s2  }
0x8d: {  	s2 =	sadd.s32 s2, s17  }
0x8e: {  	[smem:$0x3FBF] =	sst s2  }
0x8f: {  	_ = 	snop  }
0x90: {  	s2 =	sld [smem:$0x3FC3]  }
0x91: {  	s18 =	sld [smem:$0x3FC2]  }
0x92: {  	s4 =	sld [smem:$0x3FC1];
	(tm) =	ssettm $0x1  }
0x93: {  	s5 =	sld [smem:$0x3FFB];
	_ =	sdelay $0x3  }
0x94: {  	_ =	strace s5  }
0x95: {  	s5 =	sld [smem:$0x3FFC];
	_ =	sdelay $0x3  }
0x96: {  	_ =	strace s5  }
0x97: {  	s5 =	sld [smem:$0x3FFD];
	_ =	sdelay $0x3  }
0x98: {  	_ =	strace s5  }
0x99: {  	_ =	strace $0x8FFFFFFF  }
0x9a: {  	s19 =	sld [smem:$0x3FDB];
	_ =	sdelay $0x1  }
0x9b: {  	s6 =	simm.s32 $_scs_section_size  }
0x9c: {  	s7 =	simm.s32 $_size__tile_overlayer_lowered;
	s8 =	simm.s32 $_tile_overlayer_lowered  }
0x9d: {  	s22 =	simm.s32 $0x1BFF;
	s21 =	sshll.u32 s8, $0x1;
	s5 =	sadd.s32 s6, s19  }
0x9e: {  	s9 =	simm.s32 $0x0;
	s20 =	sshll.u32 s7, $0x1;
	s7 =	sadd.s32 s21, s5  }
0x9f: {  	[timem:s9], [sflag:s22] =	dma.local [hbm:s7], s20  }
0xa0: {  	_ =	swait.ge [sflag:s22], s20  }
0xa1: {  	s6 =	ssub.s32 $0x0, s20;
	[sflag:s22] =	ssyncset.done $0x0  }
0xa2: {  	[sflag:s22] =	ssyncadd.s32 s6;
	_ =	sdelay $0x1  }
0xa3: {  	s23 =	simm.s32 $0x1B8B  }
0xa4: {  	_ =	swait.ge [sflag:s23], $0x1  }
0xa5: {  	[sflag:s23] =	ssyncset.done $0x0  }
0xa6: {  	s25 =	simm.s32 $0x1B8E;
	s24 =	sld [smem:$0x3FFE];
	[sflag:s23] =	ssyncadd.s32 $0xFFFFFFFF  }
0xa7: {  	s26 =	simm.s32 $execute0_lowered;
	[smem:$0x3FD2] =	sst s25  }
0xa8: {  	s7 =	sshll.u32 s26, $0x1;
	_ =	strace $0x80000046;
	[dreg:$0x1] =	wrdreg $0xFFFFFFFF  }
0xa9: {  	s28 =	simm.s32 $_size_execute0_lowered;
	s5 =	sadd.s32 s5, s7;
	[dreg:$0x0] =	wrdreg $0x0  }
0xaa: {  	s7 =	sshll.u32 s28, $0x1;
	[dreg:$0x2] =	wrdreg s5  }
0xab: {  	[dreg:$0x3] =	wrdreg s7  }
0xac: {  	[dreg:$0x4] =	wrdreg $0xC0  }
0xad: {  	_ =	task [dreg:s9], $0x5FFFF  }
0xae: {  	[dreg:$0x1] =	wrdreg $0xFFFFFFFF  }
0xaf: {  	[dreg:$0x0] =	wrdreg $0x60  }
0xb0: {  	[dreg:$0x2] =	wrdreg s18  }
0xb1: {  	[dreg:$0x3] =	wrdreg s4  }
0xb2: {  	[dreg:$0x4] =	wrdreg s2  }
0xb3: {  	[dreg:$0x5] =	wrdreg s24  }
0xb4: {  	[dreg:$0x6] =	wrdreg $0x9  }
0xb5: {  	_ =	task.clear_ibuf [dreg:s9], $0x7FFFF;
	_ =	strace $0x90000046  }
0xb6: {  	s29 =	simm.s32 $0x9;
	_ =	strace $0x80000048  }
0xb7: {  	_ =	swait.ge [sflag:s29], $0x1  }
0xb8: {  	[sflag:s29] =	ssyncadd.s32 $0xFFFFFFFF  }
0xb9: {  	_ =	strace $0x90000048  }
0xba: {  	_ =	sfence  }
0xbb: {  	s30 =	sld [smem:$0x0];
	_ =	sdelay $0x2  }
0xbc: {  	s31 =	sshll.u32 s1, $0xD;
	s1 =	sshrl.u32 s1, $0x2  }
0xbd: {  	s3 =	sand.u32 $0x4000, s31;
	s1 =	sadd.s32 s1, s30  }
0xbe: {  	s0 =	sor.u32 s3, s0;
	s1 =	sshll.u32 s1, $0x11  }
0xbf: {  	s0 =	sor.u32 s1, s0  }
0xc0: {  	s0 =	sadd.s32 $0x8F2B, s0  }
0xc1: {  	[sflag:s0] =	ssyncadd.remote.s32 $0x1  }
0xc2: {  	_ =	sfence.sel $0xFFFF  }
0xc3: {  	[dreg:$0x0] =	wrdreg $0xFFFFFFFF;
	(pc) =	sbr.abs _section_cstart, $3  }
0xc4: {  	[dreg:$0x1] =	wrdreg $0xFFFFFFFF  }
0xc5: {  	_ =	task.clear_ibuf [dreg:s9], $0x2FFFF;
	_ =	strace $0x9FFFFFFF  }
0xc6: {  	(tm) =	ssettm $0x7FFFFFFF  }
0xc7: {  	_ =	shalt  }
tec
execute0_lowered:
.L_overlay_start_1:
0x0: {  	(tag) =	ssettag $0x1  }
0x1: {  	s1 =	rddreg [dreg:$0x0]  }
0x2: {  	s2 =	rddreg [dreg:$0x1]  }
0x3: {  	s4 =	rddreg [dreg:$0x2];
	s0 =	srdreg.scid  }
0x4: {  	s7 =	stileid.u32;
	s3 =	rddreg [dreg:$0x3];
	s30 =	simm.s32 $0x1A700  }
0x5: {  	s31 =	simm.s32 $0x1CF00;
	s28 =	simm.s32 $0x4;
	s29 =	simm.s32 $0x5  }
0x6: {  	s0 =	sand.u32 $0x1, s0;
	s5 =	sshll.u32 s7, $0x1;
	s7 =	sshrl.u32 s7, $0x2  }
0x7: {  	s6 =	sor.u32 s0, s5;
	s5 =	simm.s32 $0x0;
	s7 =	smul.u32 $0xC3800, s7  }
0x8: {  	s0 =	ssub.s32 $0x2, s0;
	s8 =	sshll.u32 s6, $0x7;
	s6 =	smul.u32 $0x186A0, s6  }
0x9: {  	[smem:$0x7FF] =	sst s5;
	s16 =	sshrl.u32 s0, $0x1;
	s8 =	sand.u32 $0x380, s8  }
0xa: {  	_ =	strace $0x80000047;
	s7 =	sor.u32 s7, s8;
	s9 =	sshrl.u32 s6, $0x3  }
0xb: {  	s0 =	ssub.s32 s0, s16;
	s7 =	sshrl.u32 s7, $0x3;
	s17 =	sadd.s32 s1, s9  }
0xc: {  	s18 =	sadd.s32 s2, s9;
	s19 =	sadd.s32 s4, s9;
	[dreg:$0x5] =	wrdreg s17  }
0xd: {  	s20 =	sadd.s32 $0xFA, s9;
	s23 =	sadd.s32 $0x1F4, s9;
	[dreg:$0x6] =	wrdreg s18  }
0xe: {  	s25 =	sadd.s32 $0x2EE, s9;
	s3 =	sadd.s32 s7, s3;
	[dreg:$0x7] =	wrdreg s19  }
0xf: {  	s21 =	sadd.s32 s1, s20;
	s22 =	sadd.s32 s2, s20;
	s7 =	sadd.s32 s4, s20  }
0x10: {  	s24 =	sadd.s32 s1, s23;
	s26 =	sadd.s32 s2, s23;
	[dreg:$0x8] =	wrdreg s21  }
0x11: {  	s14 =	sadd.s32 s4, s23;
	s15 =	sadd.s32 s1, s25;
	[dreg:$0x9] =	wrdreg s22  }
0x12: {  	s16 =	sadd.s32 s2, s25;
	s17 =	sadd.s32 s4, s25;
	[dreg:$0xa] =	wrdreg s7  }
0x13: {  	s18 =	sadd.s32 $0x1F40, s6;
	s19 =	sadd.s32 $0x2710, s6;
	[dreg:$0xb] =	wrdreg s24  }
0x14: {  	s20 =	sadd.s32 $0x2EE0, s6;
	s25 =	simm.s32 $0x2;
	[dreg:$0xc] =	wrdreg s26  }
0x15: {  	s21 =	sadd.s32 $0x36B0, s6;
	s22 =	sadd.s32 $0x3E80, s6;
	s23 =	sadd.s32 $0xE00, s3  }
0x16: {  	s24 =	smax.u32 s0, $0x1;
	s3 =	simm.s32 $0x1F700;
	s0 =	simm.s32 $0x1  }
0x17: {  	v0 =	vimm.f32 $0.0e+00;
	s26 =	simm.s32 $0x3;
	s6 =	simm.s32 $0x6;
	s7 =	simm.s32 $0x0  }
.LBB2_1:
0x18: {  	s8 =	rddreg [dreg:$0x5];
	s9 =	simm.s32 $0x18700  }
0x19: {  	[tilespmem:s9], [sflag:$0x1] =	stream.linear.gather [hbm4b:s8+s5], $0x7D0, $0x38;
	[tilespmem:$0x1FF00] =	vst v63  }
0x1a: {  	s12 =	rddreg [dreg:$0x6];
	s13 =	simm.s32 $0x1AF00  }
0x1b: {  	[tilespmem:s13], [sflag:$0x1] =	stream.linear.gather [hbm4b:s12+s5], $0x7D0, $0x38;
	[tilespmem:$0x1FF00] =	vst v63  }
0x1c: {  	s10 =	rddreg [dreg:$0x7];
	s11 =	simm.s32 $0x1D700  }
0x1d: {  	[tilespmem:s11], [sflag:$0x1] =	stream.linear.gather [hbm4b:s10+s5], $0x7D0, $0x38;
	[tilespmem:$0x1FF00] =	vst v63  }
0x1e: {  	s12 =	rddreg [dreg:$0x8];
	s13 =	simm.s32 $0x18F00  }
0x1f: {  	[tilespmem:s13], [sflag:$0x2] =	stream.linear.gather [hbm4b:s12+s5], $0x7D0, $0x38;
	[tilespmem:$0x1FF00] =	vst v63  }
0x20: {  	s10 =	rddreg [dreg:$0x9];
	s11 =	simm.s32 $0x1B700  }
0x21: {  	[tilespmem:s11], [sflag:$0x2] =	stream.linear.gather [hbm4b:s10+s5], $0x7D0, $0x38;
	[tilespmem:$0x1FF00] =	vst v63  }
0x22: {  	s12 =	rddreg [dreg:$0xa];
	s13 =	simm.s32 $0x1DF00  }
0x23: {  	[tilespmem:s13], [sflag:$0x2] =	stream.linear.gather [hbm4b:s12+s5], $0x7D0, $0x38;
	[tilespmem:$0x1FF00] =	vst v63  }
0x24: {  	s10 =	rddreg [dreg:$0xb];
	s11 =	simm.s32 $0x19700  }
0x25: {  	[tilespmem:s11], [sflag:$0x3] =	stream.linear.gather [hbm4b:s10+s5], $0x7D0, $0x38;
	[tilespmem:$0x1FF00] =	vst v63  }
0x26: {  	s12 =	rddreg [dreg:$0xc];
	s13 =	simm.s32 $0x1BF00  }
0x27: {  	[tilespmem:s13], [sflag:$0x3] =	stream.linear.gather [hbm4b:s12+s5], $0x7D0, $0x38;
	[tilespmem:$0x1FF00] =	vst v63  }
0x28: {  	s10 =	simm.s32 $0x1E700  }
0x29: {  	[tilespmem:s10], [sflag:$0x3] =	stream.linear.gather [hbm4b:s14+s5], $0x7D0, $0x38;
	[tilespmem:$0x1FF00] =	vst v63  }
0x2a: {  	s11 =	simm.s32 $0x19F00  }
0x2b: {  	[tilespmem:s11], [sflag:$0x4] =	stream.linear.gather [hbm4b:s15+s5], $0x7D0, $0x38;
	[tilespmem:$0x1FF00] =	vst v63  }
0x2c: {  	s12 =	simm.s32 $0x1C700  }
0x2d: {  	[tilespmem:s12], [sflag:$0x4] =	stream.linear.gather [hbm4b:s16+s5], $0x7D0, $0x38;
	[tilespmem:$0x1FF00] =	vst v63  }
0x2e: {  	s8 =	simm.s32 $0x20;
	s13 =	simm.s32 $0x1EF00  }
0x2f: {  	[tilespmem:s13], [sflag:$0x4] =	stream.linear.gather [hbm4b:s17+s5], $0x7D0, $0x38;
	[tilespmem:$0x1FF00] =	vst v63  }
0x30: {  	[tilespmem:s8+$0xFFFFFFE0] =	vst v0  }
0x31: {  	[tilespmem:s8+$0x20] =	vst v0  }
0x32: {  	[tilespmem:s8+$0x10] =	vst v0  }
0x33: {  	s9 =	simm.s32 $0x0;
	[tilespmem:s8+$0x0] =	vst v0  }
.LBB2_2:
0x34: {  	s9 =	sadd.s32 $0x50, s9  }
0x35: {  	[tilespmem:s8+$0xFFFFFFF0] =	vst v0;
	s8 =	sadd.s32 $0x50, s8;
	p0 =	slt.u32 s9, $0x18650  }
.Ltmp0:
0x36: {  	[tilespmem:s8+$0xFFFFFFE0] =	vst v0;
	(pc) =	sbr.rel @p0 .LBB2_2-.Ltmp0, $4  }
0x37: {  	_ = 	snop  }
0x38: {  	[tilespmem:s8+$0x20] =	vst v0  }
0x39: {  	[tilespmem:s8+$0x10] =	vst v0  }
0x3a: {  	[tilespmem:s8+$0x0] =	vst v0  }
0x3b: {  	[tilespmem:s8+$0xFFFFFFF0] =	vst v0;
	s8 =	simm.s32 $0x0  }
.LBB2_4:
0x3c: {  	s9 =	smul.u32 $0x2710, s8;
	_ =	sdelay $0x1  }
0x3d: {  	s10 =	sadd.s32 s9, s18  }
0x3e: {  	s10 =	sshrl.u32 s10, $0x3  }
0x3f: {  	s11 =	sadd.s32 s1, s10  }
0x40: {  	[tilespmem:s30], [sflag:$0x5] =	stream.linear.gather [hbm4b:s11+s5], $0x7D0, $0x38;
	[tilespmem:$0x1FF00] =	vst v63  }
0x41: {  	s13 =	sadd.s32 s2, s10  }
0x42: {  	[tilespmem:s31], [sflag:$0x5] =	stream.linear.gather [hbm4b:s13+s5], $0x7D0, $0x38;
	[tilespmem:$0x1FF00] =	vst v63  }
0x43: {  	s10 =	sadd.s32 s4, s10  }
0x44: {  	[tilespmem:s3], [sflag:$0x5] =	stream.linear.gather [hbm4b:s10+s5], $0x7D0, $0x38;
	[tilespmem:$0x1FF00] =	vst v63  }
0x45: {  	_ =	swait.ge [sflag:s0], $0x7D0  }
0x46: {  	[sflag:s0] =	ssyncset.done $0x0  }
0x47: {  	[sflag:s0] =	ssyncadd.s32 $0xFFFFF830  }
0x48: {  	_ =	swait.ge [sflag:s0], $0x7D0  }
0x49: {  	[sflag:s0] =	ssyncset.done $0x0  }
0x4a: {  	[sflag:s0] =	ssyncadd.s32 $0xFFFFF830  }
0x4b: {  	_ =	swait.ge [sflag:s0], $0x7D0  }
0x4c: {  	[sflag:s0] =	ssyncset.done $0x0  }
0x4d: {  	s12 =	simm.s32 $0x18720;
	[sflag:s0] =	ssyncadd.s32 $0xFFFFF830  }
0x4e: {  	s10 =	simm.s32 $0x1AF20;
	v2 =	vld [tilespmem:s12+$0x20]  }
0x4f: {  	s11 =	simm.s32 $0x1D720;
	v3 =	vld [tilespmem:s10+$0x20]  }
0x50: {  	v4 =	vld [tilespmem:s11+$0x20]  }
0x51: {  	v5 =	vld [tilespmem:s11+$0xFFFFFFE0]  }
0x52: {  	v6 =	vld [tilespmem:s11+$0xFFFFFFF0]  }
0x53: {  	v7 =	vld [tilespmem:s11+$0x0]  }
0x54: {  	v8 =	vld [tilespmem:s11+$0x10]  }
0x55: {  	v1 =	vld [tilespmem:s10+$0xFFFFFFE0]  }
0x56: {  	v10 =	vld [tilespmem:s12+$0x0]  }
0x57: {  	v12 =	vld [tilespmem:s12+$0x10]  }
0x58: {  	v13 =	vld [tilespmem:s10+$0x10]  }
0x59: {  	v14 =	vld [tilespmem:s12+$0xFFFFFFE0]  }
0x5a: {  	[tilespmem:v2+s5+$0x0] =	vst.idx.add.f32.msk $0xffff, v4  }
0x5b: {  	v2 =	vld [tilespmem:s12+$0xFFFFFFF0]  }
0x5c: {  	v9 =	vld [tilespmem:s10+$0xFFFFFFF0]  }
0x5d: {  	v11 =	vld [tilespmem:s10+$0x0]  }
0x5e: {  	v4 =	vsub.f32 $0.0e+00, v4;
	[tilespmem:v10+s5+$0x0] =	vst.idx.add.f32.msk $0xffff, v7  }
0x5f: {  	[tilespmem:v12+s5+$0x0] =	vst.idx.add.f32.msk $0xffff, v8  }
0x60: {  	[tilespmem:v3+s5+$0x0] =	vst.idx.add.f32.msk $0xffff, v4;
	v3 =	vsub.f32 $0.0e+00, v8  }
0x61: {  	[tilespmem:v14+s5+$0x0] =	vst.idx.add.f32.msk $0xffff, v5  }
0x62: {  	v15 =	vsub.f32 $0.0e+00, v6;
	[tilespmem:v13+s5+$0x0] =	vst.idx.add.f32.msk $0xffff, v3  }
0x63: {  	[tilespmem:v2+s5+$0x0] =	vst.idx.add.f32.msk $0xffff, v6;
	v2 =	vsub.f32 $0.0e+00, v7  }
0x64: {  	[tilespmem:v9+s5+$0x0] =	vst.idx.add.f32.msk $0xffff, v15  }
0x65: {  	s13 =	simm.s32 $0x18770;
	s12 =	simm.s32 $0x0;
	[tilespmem:v11+s5+$0x0] =	vst.idx.add.f32.msk $0xffff, v2;
	v2 =	vsub.f32 $0.0e+00, v5  }
.LBB2_5:
0x66: {  	v3 =	vld [tilespmem:s13+$0x20];
	s10 =	sadd.s32 $0x50, s10  }
0x67: {  	s12 =	sadd.s32 $0x50, s12;
	s11 =	sadd.s32 $0x50, s11;
	v4 =	vld [tilespmem:s10+$0x20]  }
0x68: {  	p0 =	slt.u32 s12, $0x780;
	v5 =	vld [tilespmem:s11+$0x20]  }
0x69: {  	v6 =	vld [tilespmem:s11+$0xFFFFFFE0]  }
0x6a: {  	v7 =	vld [tilespmem:s11+$0xFFFFFFF0]  }
0x6b: {  	v8 =	vld [tilespmem:s11+$0x0]  }
0x6c: {  	v9 =	vld [tilespmem:s11+$0x10]  }
0x6d: {  	v10 =	vld [tilespmem:s10+$0xFFFFFFE0];
	v11 =	vsub.f32 $0.0e+00, v5  }
0x6e: {  	v12 =	vsub.f32 $0.0e+00, v6;
	[tilespmem:v3+s5+$0x0] =	vst.idx.add.f32.msk $0xffff, v5  }
0x6f: {  	v3 =	vsub.f32 $0.0e+00, v7;
	[tilespmem:v4+s5+$0x0] =	vst.idx.add.f32.msk $0xffff, v11  }
0x70: {  	v4 =	vld [tilespmem:s13+$0xFFFFFFF0];
	v5 =	vsub.f32 $0.0e+00, v8  }
0x71: {  	v11 =	vld [tilespmem:s10+$0xFFFFFFF0];
	v13 =	vsub.f32 $0.0e+00, v9  }
0x72: {  	v14 =	vld [tilespmem:s13+$0x0]  }
0x73: {  	v15 =	vld [tilespmem:s10+$0x0]  }
0x74: {  	v16 =	vld [tilespmem:s13+$0x10]  }
0x75: {  	v17 =	vld [tilespmem:s10+$0x10]  }
0x76: {  	v18 =	vld [tilespmem:s13+$0xFFFFFFE0]  }
0x77: {  	[tilespmem:v1+s5+$0x0] =	vst.idx.add.f32.msk $0xffff, v2;
	v1 =	vmov v10;
	v2 =	vmov v12  }
0x78: {  	[tilespmem:v4+s5+$0x0] =	vst.idx.add.f32.msk $0xffff, v7  }
0x79: {  	[tilespmem:v11+s5+$0x0] =	vst.idx.add.f32.msk $0xffff, v3  }
.Ltmp1:
0x7a: {  	[tilespmem:v14+s5+$0x0] =	vst.idx.add.f32.msk $0xffff, v8;
	(pc) =	sbr.rel @p0 .LBB2_5-.Ltmp1, $4  }
0x7b: {  	[tilespmem:v15+s5+$0x0] =	vst.idx.add.f32.msk $0xffff, v5  }
0x7c: {  	[tilespmem:v16+s5+$0x0] =	vst.idx.add.f32.msk $0xffff, v9  }
0x7d: {  	[tilespmem:v17+s5+$0x0] =	vst.idx.add.f32.msk $0xffff, v13  }
0x7e: {  	s13 =	sadd.s32 $0x50, s13;
	[tilespmem:v18+s5+$0x0] =	vst.idx.add.f32.msk $0xffff, v6  }
0x7f: {  	_ = 	snop  }
0x80: {  	p0 =	seq.s32 s8, $0x9  }
0x81: {  	s10 =	sadd.s32 @!p0 s9, s19  }
0x82: {  	s10 =	sshrl.u32 @!p0 s10, $0x3  }
0x83: {  	[tilespmem:v1+s5+$0x0] =	vst.idx.add.f32.msk $0xffff, v2;
	s12 =	simm.s32 @!p0 $0x0;
	s13 =	simm.s32 @!p0 $0x18700;
	s11 =	sadd.s32 @!p0 s1, s10  }
0x84: {  	[tilespmem:s13], [sflag:$0x1] =	stream.linear.gather @!p0 [hbm4b:s11+s12], $0x7D0, $0x38;
	[tilespmem:$0x1FF00] =	vst v63  }
0x85: {  	s11 =	sadd.s32 @!p0 s2, s10;
	s13 =	simm.s32 @!p0 $0x1AF00  }
0x86: {  	[tilespmem:s13], [sflag:$0x1] =	stream.linear.gather @!p0 [hbm4b:s11+s12], $0x7D0, $0x38;
	[tilespmem:$0x1FF00] =	vst v63  }
0x87: {  	s10 =	sadd.s32 @!p0 s4, s10;
	s11 =	simm.s32 @!p0 $0x1D700  }
0x88: {  	[tilespmem:s11], [sflag:$0x1] =	stream.linear.gather @!p0 [hbm4b:s10+s12], $0x7D0, $0x38;
	[tilespmem:$0x1FF00] =	vst v63  }
0x89: {  	_ =	swait.ge [sflag:s25], $0x7D0  }
0x8a: {  	[sflag:s25] =	ssyncset.done $0x0  }
0x8b: {  	[sflag:s25] =	ssyncadd.s32 $0xFFFFF830  }
0x8c: {  	_ =	swait.ge [sflag:s25], $0x7D0  }
0x8d: {  	[sflag:s25] =	ssyncset.done $0x0  }
0x8e: {  	[sflag:s25] =	ssyncadd.s32 $0xFFFFF830  }
0x8f: {  	_ =	swait.ge [sflag:s25], $0x7D0  }
0x90: {  	[sflag:s25] =	ssyncset.done $0x0  }
0x91: {  	s13 =	simm.s32 $0x18F20;
	[sflag:s25] =	ssyncadd.s32 $0xFFFFF830  }
0x92: {  	s10 =	simm.s32 $0x1B720;
	v2 =	vld [tilespmem:s13+$0x20]  }
0x93: {  	s11 =	simm.s32 $0x1DF20;
	v3 =	vld [tilespmem:s10+$0x20]  }
0x94: {  	v4 =	vld [tilespmem:s11+$0x20]  }
0x95: {  	v5 =	vld [tilespmem:s11+$0xFFFFFFE0]  }
0x96: {  	v6 =	vld [tilespmem:s11+$0xFFFFFFF0]  }
0x97: {  	v7 =	vld [tilespmem:s11+$0x0]  }
0x98: {  	v8 =	vld [tilespmem:s11+$0x10]  }
0x99: {  	v1 =	vld [tilespmem:s10+$0xFFFFFFE0]  }
0x9a: {  	v10 =	vld [tilespmem:s13+$0x0]  }
0x9b: {  	v12 =	vld [tilespmem:s13+$0x10]  }
0x9c: {  	v13 =	vld [tilespmem:s10+$0x10]  }
0x9d: {  	v14 =	vld [tilespmem:s13+$0xFFFFFFE0]  }
0x9e: {  	[tilespmem:v2+s5+$0x0] =	vst.idx.add.f32.msk $0xffff, v4  }
0x9f: {  	v2 =	vld [tilespmem:s13+$0xFFFFFFF0]  }
0xa0: {  	v9 =	vld [tilespmem:s10+$0xFFFFFFF0]  }
0xa1: {  	v11 =	vld [tilespmem:s10+$0x0]  }
0xa2: {  	v4 =	vsub.f32 $0.0e+00, v4;
	[tilespmem:v10+s5+$0x0] =	vst.idx.add.f32.msk $0xffff, v7  }
0xa3: {  	[tilespmem:v12+s5+$0x0] =	vst.idx.add.f32.msk $0xffff, v8  }
0xa4: {  	[tilespmem:v3+s5+$0x0] =	vst.idx.add.f32.msk $0xffff, v4;
	v3 =	vsub.f32 $0.0e+00, v8  }
0xa5: {  	[tilespmem:v14+s5+$0x0] =	vst.idx.add.f32.msk $0xffff, v5  }
0xa6: {  	v15 =	vsub.f32 $0.0e+00, v6;
	[tilespmem:v13+s5+$0x0] =	vst.idx.add.f32.msk $0xffff, v3  }
0xa7: {  	[tilespmem:v2+s5+$0x0] =	vst.idx.add.f32.msk $0xffff, v6;
	v2 =	vsub.f32 $0.0e+00, v7  }
0xa8: {  	[tilespmem:v9+s5+$0x0] =	vst.idx.add.f32.msk $0xffff, v15  }
0xa9: {  	s12 =	simm.s32 $0x0;
	s13 =	simm.s32 $0x18F70;
	[tilespmem:v11+s5+$0x0] =	vst.idx.add.f32.msk $0xffff, v2;
	v2 =	vsub.f32 $0.0e+00, v5  }
.LBB2_7:
0xaa: {  	v3 =	vld [tilespmem:s13+$0x20];
	s10 =	sadd.s32 $0x50, s10  }
0xab: {  	s12 =	sadd.s32 $0x50, s12;
	s11 =	sadd.s32 $0x50, s11;
	v4 =	vld [tilespmem:s10+$0x20]  }
0xac: {  	p1 =	slt.u32 s12, $0x780;
	v5 =	vld [tilespmem:s11+$0x20]  }
0xad: {  	v6 =	vld [tilespmem:s11+$0xFFFFFFE0]  }
0xae: {  	v7 =	vld [tilespmem:s11+$0xFFFFFFF0]  }
0xaf: {  	v8 =	vld [tilespmem:s11+$0x0]  }
0xb0: {  	v9 =	vld [tilespmem:s11+$0x10]  }
0xb1: {  	v10 =	vld [tilespmem:s10+$0xFFFFFFE0];
	v11 =	vsub.f32 $0.0e+00, v5  }
0xb2: {  	v12 =	vsub.f32 $0.0e+00, v6;
	[tilespmem:v3+s5+$0x0] =	vst.idx.add.f32.msk $0xffff, v5  }
0xb3: {  	v3 =	vsub.f32 $0.0e+00, v7;
	[tilespmem:v4+s5+$0x0] =	vst.idx.add.f32.msk $0xffff, v11  }
0xb4: {  	v4 =	vld [tilespmem:s13+$0xFFFFFFF0];
	v5 =	vsub.f32 $0.0e+00, v8  }
0xb5: {  	v11 =	vld [tilespmem:s10+$0xFFFFFFF0];
	v13 =	vsub.f32 $0.0e+00, v9  }
0xb6: {  	v14 =	vld [tilespmem:s13+$0x0]  }
0xb7: {  	v15 =	vld [tilespmem:s10+$0x0]  }
0xb8: {  	v16 =	vld [tilespmem:s13+$0x10]  }
0xb9: {  	v17 =	vld [tilespmem:s10+$0x10]  }
0xba: {  	v18 =	vld [tilespmem:s13+$0xFFFFFFE0]  }
0xbb: {  	[tilespmem:v1+s5+$0x0] =	vst.idx.add.f32.msk $0xffff, v2;
	v1 =	vmov v10;
	v2 =	vmov v12  }
0xbc: {  	[tilespmem:v4+s5+$0x0] =	vst.idx.add.f32.msk $0xffff, v7  }
0xbd: {  	[tilespmem:v11+s5+$0x0] =	vst.idx.add.f32.msk $0xffff, v3  }
.Ltmp2:
0xbe: {  	[tilespmem:v14+s5+$0x0] =	vst.idx.add.f32.msk $0xffff, v8;
	(pc) =	sbr.rel @p1 .LBB2_7-.Ltmp2, $4  }
0xbf: {  	[tilespmem:v15+s5+$0x0] =	vst.idx.add.f32.msk $0xffff, v5  }
0xc0: {  	[tilespmem:v16+s5+$0x0] =	vst.idx.add.f32.msk $0xffff, v9  }
0xc1: {  	[tilespmem:v17+s5+$0x0] =	vst.idx.add.f32.msk $0xffff, v13  }
0xc2: {  	s13 =	sadd.s32 $0x50, s13;
	[tilespmem:v18+s5+$0x0] =	vst.idx.add.f32.msk $0xffff, v6  }
0xc3: {  	_ =	sdelay $0x1  }
0xc4: {  	s10 =	sadd.s32 @!p0 s9, s20  }
0xc5: {  	s10 =	sshrl.u32 @!p0 s10, $0x3  }
0xc6: {  	[tilespmem:v1+s5+$0x0] =	vst.idx.add.f32.msk $0xffff, v2;
	s12 =	simm.s32 @!p0 $0x0;
	s13 =	simm.s32 @!p0 $0x18F00;
	s11 =	sadd.s32 @!p0 s1, s10  }
0xc7: {  	[tilespmem:s13], [sflag:$0x2] =	stream.linear.gather @!p0 [hbm4b:s11+s12], $0x7D0, $0x38;
	[tilespmem:$0x1FF00] =	vst v63  }
0xc8: {  	s11 =	sadd.s32 @!p0 s2, s10;
	s13 =	simm.s32 @!p0 $0x1B700  }
0xc9: {  	[tilespmem:s13], [sflag:$0x2] =	stream.linear.gather @!p0 [hbm4b:s11+s12], $0x7D0, $0x38;
	[tilespmem:$0x1FF00] =	vst v63  }
0xca: {  	s10 =	sadd.s32 @!p0 s4, s10;
	s11 =	simm.s32 @!p0 $0x1DF00  }
0xcb: {  	[tilespmem:s11], [sflag:$0x2] =	stream.linear.gather @!p0 [hbm4b:s10+s12], $0x7D0, $0x38;
	[tilespmem:$0x1FF00] =	vst v63  }
0xcc: {  	_ =	swait.ge [sflag:s26], $0x7D0  }
0xcd: {  	[sflag:s26] =	ssyncset.done $0x0  }
0xce: {  	[sflag:s26] =	ssyncadd.s32 $0xFFFFF830  }
0xcf: {  	_ =	swait.ge [sflag:s26], $0x7D0  }
0xd0: {  	[sflag:s26] =	ssyncset.done $0x0  }
0xd1: {  	[sflag:s26] =	ssyncadd.s32 $0xFFFFF830  }
0xd2: {  	_ =	swait.ge [sflag:s26], $0x7D0  }
0xd3: {  	[sflag:s26] =	ssyncset.done $0x0  }
0xd4: {  	s13 =	simm.s32 $0x19720;
	[sflag:s26] =	ssyncadd.s32 $0xFFFFF830  }
0xd5: {  	s10 =	simm.s32 $0x1BF20;
	v2 =	vld [tilespmem:s13+$0x20]  }
0xd6: {  	s11 =	simm.s32 $0x1E720;
	v3 =	vld [tilespmem:s10+$0x20]  }
0xd7: {  	v4 =	vld [tilespmem:s11+$0x20]  }
0xd8: {  	v5 =	vld [tilespmem:s11+$0xFFFFFFE0]  }
0xd9: {  	v6 =	vld [tilespmem:s11+$0xFFFFFFF0]  }
0xda: {  	v7 =	vld [tilespmem:s11+$0x0]  }
0xdb: {  	v8 =	vld [tilespmem:s11+$0x10]  }
0xdc: {  	v1 =	vld [tilespmem:s10+$0xFFFFFFE0]  }
0xdd: {  	v10 =	vld [tilespmem:s13+$0x0]  }
0xde: {  	v12 =	vld [tilespmem:s13+$0x10]  }
0xdf: {  	v13 =	vld [tilespmem:s10+$0x10]  }
0xe0: {  	v14 =	vld [tilespmem:s13+$0xFFFFFFE0]  }
0xe1: {  	[tilespmem:v2+s5+$0x0] =	vst.idx.add.f32.msk $0xffff, v4  }
0xe2: {  	v2 =	vld [tilespmem:s13+$0xFFFFFFF0]  }
0xe3: {  	v9 =	vld [tilespmem:s10+$0xFFFFFFF0]  }
0xe4: {  	v11 =	vld [tilespmem:s10+$0x0]  }
0xe5: {  	v4 =	vsub.f32 $0.0e+00, v4;
	[tilespmem:v10+s5+$0x0] =	vst.idx.add.f32.msk $0xffff, v7  }
0xe6: {  	[tilespmem:v12+s5+$0x0] =	vst.idx.add.f32.msk $0xffff, v8  }
0xe7: {  	[tilespmem:v3+s5+$0x0] =	vst.idx.add.f32.msk $0xffff, v4;
	v3 =	vsub.f32 $0.0e+00, v8  }
0xe8: {  	[tilespmem:v14+s5+$0x0] =	vst.idx.add.f32.msk $0xffff, v5  }
0xe9: {  	v15 =	vsub.f32 $0.0e+00, v6;
	[tilespmem:v13+s5+$0x0] =	vst.idx.add.f32.msk $0xffff, v3  }
0xea: {  	[tilespmem:v2+s5+$0x0] =	vst.idx.add.f32.msk $0xffff, v6;
	v2 =	vsub.f32 $0.0e+00, v7  }
0xeb: {  	[tilespmem:v9+s5+$0x0] =	vst.idx.add.f32.msk $0xffff, v15  }
0xec: {  	s12 =	simm.s32 $0x0;
	s13 =	simm.s32 $0x19770;
	[tilespmem:v11+s5+$0x0] =	vst.idx.add.f32.msk $0xffff, v2;
	v2 =	vsub.f32 $0.0e+00, v5  }
.LBB2_9:
0xed: {  	v3 =	vld [tilespmem:s13+$0x20];
	s10 =	sadd.s32 $0x50, s10  }
0xee: {  	s12 =	sadd.s32 $0x50, s12;
	s11 =	sadd.s32 $0x50, s11;
	v4 =	vld [tilespmem:s10+$0x20]  }
0xef: {  	p1 =	slt.u32 s12, $0x780;
	v5 =	vld [tilespmem:s11+$0x20]  }
0xf0: {  	v6 =	vld [tilespmem:s11+$0xFFFFFFE0]  }
0xf1: {  	v7 =	vld [tilespmem:s11+$0xFFFFFFF0]  }
0xf2: {  	v8 =	vld [tilespmem:s11+$0x0]  }
0xf3: {  	v9 =	vld [tilespmem:s11+$0x10]  }
0xf4: {  	v10 =	vld [tilespmem:s10+$0xFFFFFFE0];
	v11 =	vsub.f32 $0.0e+00, v5  }
0xf5: {  	v12 =	vsub.f32 $0.0e+00, v6;
	[tilespmem:v3+s5+$0x0] =	vst.idx.add.f32.msk $0xffff, v5  }
0xf6: {  	v3 =	vsub.f32 $0.0e+00, v7;
	[tilespmem:v4+s5+$0x0] =	vst.idx.add.f32.msk $0xffff, v11  }
0xf7: {  	v4 =	vld [tilespmem:s13+$0xFFFFFFF0];
	v5 =	vsub.f32 $0.0e+00, v8  }
0xf8: {  	v11 =	vld [tilespmem:s10+$0xFFFFFFF0];
	v13 =	vsub.f32 $0.0e+00, v9  }
0xf9: {  	v14 =	vld [tilespmem:s13+$0x0]  }
0xfa: {  	v15 =	vld [tilespmem:s10+$0x0]  }
0xfb: {  	v16 =	vld [tilespmem:s13+$0x10]  }
0xfc: {  	v17 =	vld [tilespmem:s10+$0x10]  }
0xfd: {  	v18 =	vld [tilespmem:s13+$0xFFFFFFE0]  }
0xfe: {  	[tilespmem:v1+s5+$0x0] =	vst.idx.add.f32.msk $0xffff, v2;
	v1 =	vmov v10;
	v2 =	vmov v12  }
0xff: {  	[tilespmem:v4+s5+$0x0] =	vst.idx.add.f32.msk $0xffff, v7  }
0x100: {  	[tilespmem:v11+s5+$0x0] =	vst.idx.add.f32.msk $0xffff, v3  }
.Ltmp3:
0x101: {  	[tilespmem:v14+s5+$0x0] =	vst.idx.add.f32.msk $0xffff, v8;
	(pc) =	sbr.rel @p1 .LBB2_9-.Ltmp3, $4  }
0x102: {  	[tilespmem:v15+s5+$0x0] =	vst.idx.add.f32.msk $0xffff, v5  }
0x103: {  	[tilespmem:v16+s5+$0x0] =	vst.idx.add.f32.msk $0xffff, v9  }
0x104: {  	[tilespmem:v17+s5+$0x0] =	vst.idx.add.f32.msk $0xffff, v13  }
0x105: {  	s13 =	sadd.s32 $0x50, s13;
	[tilespmem:v18+s5+$0x0] =	vst.idx.add.f32.msk $0xffff, v6  }
0x106: {  	_ =	sdelay $0x1  }
0x107: {  	s10 =	sadd.s32 @!p0 s9, s21  }
0x108: {  	s10 =	sshrl.u32 @!p0 s10, $0x3  }
0x109: {  	[tilespmem:v1+s5+$0x0] =	vst.idx.add.f32.msk $0xffff, v2;
	s12 =	simm.s32 @!p0 $0x0;
	s13 =	simm.s32 @!p0 $0x19700;
	s11 =	sadd.s32 @!p0 s1, s10  }
0x10a: {  	[tilespmem:s13], [sflag:$0x3] =	stream.linear.gather @!p0 [hbm4b:s11+s12], $0x7D0, $0x38;
	[tilespmem:$0x1FF00] =	vst v63  }
0x10b: {  	s11 =	sadd.s32 @!p0 s2, s10;
	s13 =	simm.s32 @!p0 $0x1BF00  }
0x10c: {  	[tilespmem:s13], [sflag:$0x3] =	stream.linear.gather @!p0 [hbm4b:s11+s12], $0x7D0, $0x38;
	[tilespmem:$0x1FF00] =	vst v63  }
0x10d: {  	s10 =	sadd.s32 @!p0 s4, s10;
	s11 =	simm.s32 @!p0 $0x1E700  }
0x10e: {  	[tilespmem:s11], [sflag:$0x3] =	stream.linear.gather @!p0 [hbm4b:s10+s12], $0x7D0, $0x38;
	[tilespmem:$0x1FF00] =	vst v63  }
0x10f: {  	_ =	swait.ge [sflag:s28], $0x7D0  }
0x110: {  	[sflag:s28] =	ssyncset.done $0x0  }
0x111: {  	[sflag:s28] =	ssyncadd.s32 $0xFFFFF830  }
0x112: {  	_ =	swait.ge [sflag:s28], $0x7D0  }
0x113: {  	[sflag:s28] =	ssyncset.done $0x0  }
0x114: {  	[sflag:s28] =	ssyncadd.s32 $0xFFFFF830  }
0x115: {  	_ =	swait.ge [sflag:s28], $0x7D0  }
0x116: {  	[sflag:s28] =	ssyncset.done $0x0  }
0x117: {  	s13 =	simm.s32 $0x19F20;
	[sflag:s28] =	ssyncadd.s32 $0xFFFFF830  }
0x118: {  	s10 =	simm.s32 $0x1C720;
	v2 =	vld [tilespmem:s13+$0x20]  }
0x119: {  	s11 =	simm.s32 $0x1EF20;
	v3 =	vld [tilespmem:s10+$0x20]  }
0x11a: {  	v4 =	vld [tilespmem:s11+$0x20]  }
0x11b: {  	v5 =	vld [tilespmem:s11+$0xFFFFFFE0]  }
0x11c: {  	v6 =	vld [tilespmem:s11+$0xFFFFFFF0]  }
0x11d: {  	v7 =	vld [tilespmem:s11+$0x0]  }
0x11e: {  	v8 =	vld [tilespmem:s11+$0x10]  }
0x11f: {  	v1 =	vld [tilespmem:s10+$0xFFFFFFE0]  }
0x120: {  	v10 =	vld [tilespmem:s13+$0x0]  }
0x121: {  	v12 =	vld [tilespmem:s13+$0x10]  }
0x122: {  	v13 =	vld [tilespmem:s10+$0x10]  }
0x123: {  	v14 =	vld [tilespmem:s13+$0xFFFFFFE0]  }
0x124: {  	[tilespmem:v2+s5+$0x0] =	vst.idx.add.f32.msk $0xffff, v4  }
0x125: {  	v2 =	vld [tilespmem:s13+$0xFFFFFFF0]  }
0x126: {  	v9 =	vld [tilespmem:s10+$0xFFFFFFF0]  }
0x127: {  	v11 =	vld [tilespmem:s10+$0x0]  }
0x128: {  	v4 =	vsub.f32 $0.0e+00, v4;
	[tilespmem:v10+s5+$0x0] =	vst.idx.add.f32.msk $0xffff, v7  }
0x129: {  	[tilespmem:v12+s5+$0x0] =	vst.idx.add.f32.msk $0xffff, v8  }
0x12a: {  	[tilespmem:v3+s5+$0x0] =	vst.idx.add.f32.msk $0xffff, v4;
	v3 =	vsub.f32 $0.0e+00, v8  }
0x12b: {  	[tilespmem:v14+s5+$0x0] =	vst.idx.add.f32.msk $0xffff, v5  }
0x12c: {  	v15 =	vsub.f32 $0.0e+00, v6;
	[tilespmem:v13+s5+$0x0] =	vst.idx.add.f32.msk $0xffff, v3  }
0x12d: {  	[tilespmem:v2+s5+$0x0] =	vst.idx.add.f32.msk $0xffff, v6;
	v2 =	vsub.f32 $0.0e+00, v7  }
0x12e: {  	[tilespmem:v9+s5+$0x0] =	vst.idx.add.f32.msk $0xffff, v15  }
0x12f: {  	s12 =	simm.s32 $0x0;
	s13 =	simm.s32 $0x19F70;
	[tilespmem:v11+s5+$0x0] =	vst.idx.add.f32.msk $0xffff, v2;
	v2 =	vsub.f32 $0.0e+00, v5  }
.LBB2_11:
0x130: {  	v3 =	vld [tilespmem:s13+$0x20];
	s10 =	sadd.s32 $0x50, s10  }
0x131: {  	s12 =	sadd.s32 $0x50, s12;
	s11 =	sadd.s32 $0x50, s11;
	v4 =	vld [tilespmem:s10+$0x20]  }
0x132: {  	p1 =	slt.u32 s12, $0x780;
	v5 =	vld [tilespmem:s11+$0x20]  }
0x133: {  	v6 =	vld [tilespmem:s11+$0xFFFFFFE0]  }
0x134: {  	v7 =	vld [tilespmem:s11+$0xFFFFFFF0]  }
0x135: {  	v8 =	vld [tilespmem:s11+$0x0]  }
0x136: {  	v9 =	vld [tilespmem:s11+$0x10]  }
0x137: {  	v10 =	vld [tilespmem:s10+$0xFFFFFFE0];
	v11 =	vsub.f32 $0.0e+00, v5  }
0x138: {  	v12 =	vsub.f32 $0.0e+00, v6;
	[tilespmem:v3+s5+$0x0] =	vst.idx.add.f32.msk $0xffff, v5  }
0x139: {  	v3 =	vsub.f32 $0.0e+00, v7;
	[tilespmem:v4+s5+$0x0] =	vst.idx.add.f32.msk $0xffff, v11  }
0x13a: {  	v4 =	vld [tilespmem:s13+$0xFFFFFFF0];
	v5 =	vsub.f32 $0.0e+00, v8  }
0x13b: {  	v11 =	vld [tilespmem:s10+$0xFFFFFFF0];
	v13 =	vsub.f32 $0.0e+00, v9  }
0x13c: {  	v14 =	vld [tilespmem:s13+$0x0]  }
0x13d: {  	v15 =	vld [tilespmem:s10+$0x0]  }
0x13e: {  	v16 =	vld [tilespmem:s13+$0x10]  }
0x13f: {  	v17 =	vld [tilespmem:s10+$0x10]  }
0x140: {  	v18 =	vld [tilespmem:s13+$0xFFFFFFE0]  }
0x141: {  	[tilespmem:v1+s5+$0x0] =	vst.idx.add.f32.msk $0xffff, v2;
	v1 =	vmov v10;
	v2 =	vmov v12  }
0x142: {  	[tilespmem:v4+s5+$0x0] =	vst.idx.add.f32.msk $0xffff, v7  }
0x143: {  	[tilespmem:v11+s5+$0x0] =	vst.idx.add.f32.msk $0xffff, v3  }
.Ltmp4:
0x144: {  	[tilespmem:v14+s5+$0x0] =	vst.idx.add.f32.msk $0xffff, v8;
	(pc) =	sbr.rel @p1 .LBB2_11-.Ltmp4, $4  }
0x145: {  	[tilespmem:v15+s5+$0x0] =	vst.idx.add.f32.msk $0xffff, v5  }
0x146: {  	[tilespmem:v16+s5+$0x0] =	vst.idx.add.f32.msk $0xffff, v9  }
0x147: {  	[tilespmem:v17+s5+$0x0] =	vst.idx.add.f32.msk $0xffff, v13  }
0x148: {  	s13 =	sadd.s32 $0x50, s13;
	[tilespmem:v18+s5+$0x0] =	vst.idx.add.f32.msk $0xffff, v6  }
0x149: {  	_ =	sdelay $0x1  }
0x14a: {  	s9 =	sadd.s32 @!p0 s9, s22  }
0x14b: {  	s9 =	sshrl.u32 @!p0 s9, $0x3  }
0x14c: {  	[tilespmem:v1+s5+$0x0] =	vst.idx.add.f32.msk $0xffff, v2;
	s11 =	simm.s32 @!p0 $0x0;
	s12 =	simm.s32 @!p0 $0x19F00;
	s10 =	sadd.s32 @!p0 s1, s9  }
0x14d: {  	[tilespmem:s12], [sflag:$0x4] =	stream.linear.gather @!p0 [hbm4b:s10+s11], $0x7D0, $0x38;
	[tilespmem:$0x1FF00] =	vst v63  }
0x14e: {  	s10 =	sadd.s32 @!p0 s2, s9;
	s12 =	simm.s32 @!p0 $0x1C700  }
0x14f: {  	[tilespmem:s12], [sflag:$0x4] =	stream.linear.gather @!p0 [hbm4b:s10+s11], $0x7D0, $0x38;
	[tilespmem:$0x1FF00] =	vst v63  }
0x150: {  	s9 =	sadd.s32 @!p0 s4, s9;
	s10 =	simm.s32 @!p0 $0x1EF00  }
0x151: {  	[tilespmem:s10], [sflag:$0x4] =	stream.linear.gather @!p0 [hbm4b:s9+s11], $0x7D0, $0x38;
	[tilespmem:$0x1FF00] =	vst v63  }
0x152: {  	_ =	swait.ge [sflag:s29], $0x7D0  }
0x153: {  	[sflag:s29] =	ssyncset.done $0x0  }
0x154: {  	[sflag:s29] =	ssyncadd.s32 $0xFFFFF830  }
0x155: {  	_ =	swait.ge [sflag:s29], $0x7D0  }
0x156: {  	[sflag:s29] =	ssyncset.done $0x0  }
0x157: {  	[sflag:s29] =	ssyncadd.s32 $0xFFFFF830  }
0x158: {  	_ =	swait.ge [sflag:s29], $0x7D0  }
0x159: {  	[sflag:s29] =	ssyncset.done $0x0  }
0x15a: {  	s13 =	simm.s32 $0x1A720;
	[sflag:s29] =	ssyncadd.s32 $0xFFFFF830  }
0x15b: {  	s9 =	simm.s32 $0x1CF20;
	v2 =	vld [tilespmem:s13+$0x20]  }
0x15c: {  	s10 =	simm.s32 $0x1F720;
	v3 =	vld [tilespmem:s9+$0x20]  }
0x15d: {  	v4 =	vld [tilespmem:s10+$0x20]  }
0x15e: {  	v5 =	vld [tilespmem:s10+$0xFFFFFFE0]  }
0x15f: {  	v6 =	vld [tilespmem:s10+$0xFFFFFFF0]  }
0x160: {  	v7 =	vld [tilespmem:s10+$0x0]  }
0x161: {  	v8 =	vld [tilespmem:s10+$0x10]  }
0x162: {  	v1 =	vld [tilespmem:s9+$0xFFFFFFE0]  }
0x163: {  	v10 =	vld [tilespmem:s13+$0x0]  }
0x164: {  	v12 =	vld [tilespmem:s13+$0x10]  }
0x165: {  	v13 =	vld [tilespmem:s9+$0x10]  }
0x166: {  	v14 =	vld [tilespmem:s13+$0xFFFFFFE0]  }
0x167: {  	[tilespmem:v2+s5+$0x0] =	vst.idx.add.f32.msk $0xffff, v4  }
0x168: {  	v2 =	vld [tilespmem:s13+$0xFFFFFFF0]  }
0x169: {  	v9 =	vld [tilespmem:s9+$0xFFFFFFF0]  }
0x16a: {  	v11 =	vld [tilespmem:s9+$0x0]  }
0x16b: {  	v4 =	vsub.f32 $0.0e+00, v4;
	[tilespmem:v10+s5+$0x0] =	vst.idx.add.f32.msk $0xffff, v7  }
0x16c: {  	[tilespmem:v12+s5+$0x0] =	vst.idx.add.f32.msk $0xffff, v8  }
0x16d: {  	[tilespmem:v3+s5+$0x0] =	vst.idx.add.f32.msk $0xffff, v4;
	v3 =	vsub.f32 $0.0e+00, v8  }
0x16e: {  	[tilespmem:v14+s5+$0x0] =	vst.idx.add.f32.msk $0xffff, v5  }
0x16f: {  	v15 =	vsub.f32 $0.0e+00, v6;
	[tilespmem:v13+s5+$0x0] =	vst.idx.add.f32.msk $0xffff, v3  }
0x170: {  	[tilespmem:v2+s5+$0x0] =	vst.idx.add.f32.msk $0xffff, v6;
	v2 =	vsub.f32 $0.0e+00, v7  }
0x171: {  	[tilespmem:v9+s5+$0x0] =	vst.idx.add.f32.msk $0xffff, v15  }
0x172: {  	s12 =	simm.s32 $0x1A770;
	s11 =	simm.s32 $0x0;
	[tilespmem:v11+s5+$0x0] =	vst.idx.add.f32.msk $0xffff, v2;
	v2 =	vsub.f32 $0.0e+00, v5  }
.LBB2_13:
0x173: {  	v3 =	vld [tilespmem:s12+$0x20];
	s9 =	sadd.s32 $0x50, s9  }
0x174: {  	s11 =	sadd.s32 $0x50, s11;
	s10 =	sadd.s32 $0x50, s10;
	v4 =	vld [tilespmem:s9+$0x20]  }
0x175: {  	p0 =	slt.u32 s11, $0x780;
	v5 =	vld [tilespmem:s10+$0x20]  }
0x176: {  	v6 =	vld [tilespmem:s10+$0xFFFFFFE0]  }
0x177: {  	v7 =	vld [tilespmem:s10+$0xFFFFFFF0]  }
0x178: {  	v8 =	vld [tilespmem:s10+$0x0]  }
0x179: {  	v9 =	vld [tilespmem:s10+$0x10]  }
0x17a: {  	v10 =	vld [tilespmem:s9+$0xFFFFFFE0];
	v11 =	vsub.f32 $0.0e+00, v5  }
0x17b: {  	v12 =	vsub.f32 $0.0e+00, v6;
	[tilespmem:v3+s5+$0x0] =	vst.idx.add.f32.msk $0xffff, v5  }
0x17c: {  	v3 =	vsub.f32 $0.0e+00, v7;
	[tilespmem:v4+s5+$0x0] =	vst.idx.add.f32.msk $0xffff, v11  }
0x17d: {  	v4 =	vld [tilespmem:s12+$0xFFFFFFF0];
	v5 =	vsub.f32 $0.0e+00, v8  }
0x17e: {  	v11 =	vld [tilespmem:s9+$0xFFFFFFF0];
	v13 =	vsub.f32 $0.0e+00, v9  }
0x17f: {  	v14 =	vld [tilespmem:s12+$0x0]  }
0x180: {  	v15 =	vld [tilespmem:s9+$0x0]  }
0x181: {  	v16 =	vld [tilespmem:s12+$0x10]  }
0x182: {  	v17 =	vld [tilespmem:s9+$0x10]  }
0x183: {  	v18 =	vld [tilespmem:s12+$0xFFFFFFE0]  }
0x184: {  	[tilespmem:v1+s5+$0x0] =	vst.idx.add.f32.msk $0xffff, v2;
	v1 =	vmov v10;
	v2 =	vmov v12  }
0x185: {  	[tilespmem:v4+s5+$0x0] =	vst.idx.add.f32.msk $0xffff, v7  }
0x186: {  	[tilespmem:v11+s5+$0x0] =	vst.idx.add.f32.msk $0xffff, v3  }
.Ltmp5:
0x187: {  	[tilespmem:v14+s5+$0x0] =	vst.idx.add.f32.msk $0xffff, v8;
	(pc) =	sbr.rel @p0 .LBB2_13-.Ltmp5, $4  }
0x188: {  	[tilespmem:v15+s5+$0x0] =	vst.idx.add.f32.msk $0xffff, v5  }
0x189: {  	[tilespmem:v16+s5+$0x0] =	vst.idx.add.f32.msk $0xffff, v9  }
0x18a: {  	[tilespmem:v17+s5+$0x0] =	vst.idx.add.f32.msk $0xffff, v13  }
0x18b: {  	s12 =	sadd.s32 $0x50, s12;
	[tilespmem:v18+s5+$0x0] =	vst.idx.add.f32.msk $0xffff, v6  }
0x18c: {  	s8 =	sadd.s32 $0x1, s8  }
0x18d: {  	p0 =	sne.s32 s8, $0xA  }
.Ltmp6:
0x18e: {  	_ = 	snop;
	(pc) =	sbr.rel @p0 .LBB2_4-.Ltmp6, $2  }
0x18f: {  	_ =	sdelay $0x2  }
0x190: {  	[tilespmem:v1+s5+$0x0] =	vst.idx.add.f32.msk $0xffff, v2  }
0x191: {  	s7 =	sadd.s32 $0x1, s7  }
0x192: {  	p0 =	sne.s32 s7, s24  }
.Ltmp7:
0x193: {  	s8 =	simm.s32 $0x80;
	s9 =	simm.s32 $0x400;
	(pc) =	sbr.rel @p0 .LBB2_1-.Ltmp7, $4  }
0x194: {  	[hbm4b:s23+s8] =	stream.strided.scatter [tilespmem:s5], [sflag:$0x6], $0x18700, s9, s8, $0x38;
	[tilespmem:$0x1FF00] =	vst v63  }
0x195: {  	_ =	swait.ge [sflag:s6], $0x18700  }
0x196: {  	[sflag:s6] =	ssyncset.done $0x0  }
0x197: {  	[sflag:s6] =	ssyncadd.s32 $0xFFFE7900  }
0x198: {  	_ =	sfence.sel $0x180000  }
0x199: {  	[bflag:$0x0] =	sbarrier.arrive $0xFFFF  }
0x19a: {  	_ =	strace $0x90000047  }
0x19b: {  	s0 =	stileid.u32;
	[bflag:$0x2] =	sbarrier.arrive $0xFFFF  }
0x19c: {  	p0 =	sne.s32 s0, $0x0;
	s0 =	rddreg [dreg:$0x4]  }
0x19d: {  	s0 =	sadd.s32 @!p0 $0x100000, s0  }
0x19e: {  	[sflag:s0] =	ssyncadd.tile.s32 @!p0 $0x1;
	_ =	shalt  }
.Lfunc_end2:
_tile_overlayer_lowered:
.L_overlay_start_2:
0x19f: {  	(tag) =	ssettag $0x2  }
0x1a0: {  	s0 =	rddreg [dreg:$0x0];
	s2 =	stileid.u32  }
0x1a1: {  	s1 =	rddreg [dreg:$0x1];
	p0 =	sne.s32 s2, $0x0  }
0x1a2: {  	s3 =	rddreg [dreg:$0x2];
	[bflag:$0x3] =	sbarrier.arrive $0xFFFF;
	s2 =	simm.s32 @!p0 $0x1C06  }
0x1a3: {  	[timem:s3], [sflag:s2] =	dma.local @!p0 [hbm:s0], s1  }
0x1a4: {  	s0 =	simm.s32 @!p0 $0x6  }
0x1a5: {  	_ =	swait.ge @!p0 [sflag:s0], s1  }
0x1a6: {  	s1 =	ssub.s32 @!p0 $0x0, s1;
	[sflag:s0] =	ssyncset.done @!p0 $0x0  }
0x1a7: {  	[sflag:s0] =	ssyncadd.s32 @!p0 s1  }
0x1a8: {  	[bflag:$0x3] =	sbarrier.arrive $0xFFFF  }
0x1a9: {  	_ =	shalt  }

// kernel: kernel.8.cloned.1.call-start
scs
__scs_entry_jumppad:
0x0: {  	(pc) =	sbr.rel $0x88, $3  }
0x1: {  	(tag) =	ssettag $0x0;
	lr =	simm.s32 $0x1  }
0x2: {  	[smem:$0x3F98] =	sst lr;
	_ =	strace $0xD0000000  }
0x3: {  	_ = 	snop  }
0x4: {  	_ = 	snop  }
0x5: {  	_ = 	snop  }
0x6: {  	_ = 	snop  }
0x7: {  	_ = 	snop  }
__scs_overlays_trampoline_lowered:
0x8: {  	[smem:$0x3FA7] =	sst s0  }
0x9: {  	[smem:$0x3FA8] =	sst s1  }
0xa: {  	[smem:$0x3FA9] =	sst s2  }
0xb: {  	[smem:$0x3FAA] =	sst s3  }
0xc: {  	[smem:$0x3FAB] =	sst s4  }
0xd: {  	[smem:$0x3FAC] =	sst s5  }
0xe: {  	[smem:$0x3FAD] =	sst s6  }
0xf: {  	[smem:$0x3FAE] =	sst s7  }
0x10: {  	[smem:$0x3FAF] =	sst s8  }
0x11: {  	[smem:$0x3FB0] =	sst s9;
	s0 =	simm.s32 @!p0 $0x0  }
0x12: {  	s1 =	sld [smem:$0x3F96];
	s0 =	simm.s32 @p0 $0x1  }
0x13: {  	[smem:$0x3FB1] =	sst s0;
	s0 =	simm.s32 @!p1 $0x0  }
0x14: {  	s2 =	sld [smem:$0x3F95];
	s0 =	simm.s32 @p1 $0x1  }
0x15: {  	[smem:$0x3FB2] =	sst s0;
	s0 =	simm.s32 @!p2 $0x0  }
0x16: {  	s3 =	sld [smem:$0x3FDB];
	s0 =	simm.s32 @p2 $0x1  }
0x17: {  	s4 =	simm.s32 $0x1BF5;
	[smem:$0x3FB4] =	sst s0  }
0x18: {  	s0 =	sld [smem:$0x3F97];
	_ =	swait.ge [sflag:s4], $0x0  }
0x19: {  	s7 =	sld [smem:$0x3F98]  }
0x1a: {  	s8 =	sadd.s32 $0xFFFFE003, lr  }
0x1b: {  	s9 =	sadd.s32 $0xFFFFFEF7, lr;
	s5 =	simm.s32 $0xFFFFFFFF;
	p2 =	slt.u32 s8, $0xFFFFF086  }
0x1c: {  	p1 =	slt.u32 s9, $0xF7A;
	s5 =	simm.s32 @!p2 $0x0  }
0x1d: {  	s5 =	simm.s32 @p1 $0x1;
	p0 =	seq.s32 s7, s2  }
0x1e: {  	s7 =	smul.u32 @!p0 $0xF7A, s2;
	p2 =	seq.s32 @!p0 s5, $0x0  }
0x1f: {  	s9 =	smul.u32 $0xF7A, s1;
	s8 =	simm.s32 @!p0 $0x1BF5;
	p2 =	por !p2, p0  }
0x20: {  	[sflag:s8] =	ssyncset.s32 @!p0 $0xFFFFF086;
	s6 =	sadd.s32 @!p0 s3, s7;
	s7 =	simm.s32 @!p0 $0x108  }
0x21: {  	s3 =	sadd.s32 s3, s9;
	s6 =	sadd.s32 @!p0 $0x88, s6;
	s7 =	simm.s32 @p2 $0x1082  }
0x22: {  	[simem:s7], [sflag:s8] =	dma.local @!p0 [hbm:s6], $0xF7A  }
0x23: {  	s9 =	sor.u32 $0xD0000000, s2;
	s6 =	simm.s32 $0x108;
	_ =	swait.ge @!p0 [sflag:s8], $0x0  }
0x24: {  	s3 =	sadd.s32 $0x88, s3;
	s6 =	simm.s32 @!p1 $0x1082;
	[sflag:s4] =	ssyncset.s32 $0xFFFFF086  }
0x25: {  	[simem:s6], [sflag:s4] =	dma.local [hbm:s3], $0xF7A  }
0x26: {  	[smem:$0x3F98] =	sst s1;
	(tag) =	ssettag s2;
	_ =	strace s9  }
0x27: {  	s1 =	sld [smem:$0x3FA8]  }
0x28: {  	s2 =	sld [smem:$0x3FA9]  }
0x29: {  	s4 =	sld [smem:$0x3FAB]  }
0x2a: {  	p0 =	seq.s32 s5, $0x0;
	s5 =	sld [smem:$0x3FAC]  }
0x2b: {  	s6 =	sld [smem:$0x3FAD]  }
0x2c: {  	s7 =	sld [smem:$0x3FAE]  }
0x2d: {  	s3 =	simm.s32 $0x108;
	s8 =	sld [smem:$0x3FAF]  }
0x2e: {  	s3 =	simm.s32 @!p0 $0x1082;
	s9 =	sld [smem:$0x3FB0]  }
0x2f: {  	lr =	sadd.s32 s0, s3;
	s0 =	sld [smem:$0x3FA7]  }
0x30: {  	s3 =	sld [smem:$0x3FAA]  }
0x31: {  	[smem:$0x3FB3] =	sst s10  }
0x32: {  	s10 =	sld [smem:$0x3FB1];
	_ =	sdelay $0x3  }
0x33: {  	p0 =	seq.s32 s10, $0x1;
	s10 =	sld [smem:$0x3FB3];
	_ =	sdelay $0x3  }
0x34: {  	[smem:$0x3FB3] =	sst s10  }
0x35: {  	s10 =	sld [smem:$0x3FB2];
	_ =	sdelay $0x3  }
0x36: {  	p1 =	seq.s32 s10, $0x1;
	s10 =	sld [smem:$0x3FB3];
	_ =	sdelay $0x3  }
0x37: {  	[smem:$0x3FB3] =	sst s10  }
0x38: {  	s10 =	sld [smem:$0x3FB4]  }
0x39: {  	_ = 	snop;
	(pc) =	sbr.ind lr, $3  }
0x3a: {  	_ = 	snop  }
0x3b: {  	_ = 	snop  }
0x3c: {  	p2 =	seq.s32 s10, $0x1;
	s10 =	sld [smem:$0x3FB3]  }
0x3d: {  	_ =	shalt  }
0x3e: {  	_ =	shalt  }
0x3f: {  	_ =	shalt  }
0x40: {  	_ =	shalt  }
0x41: {  	_ =	shalt  }
0x42: {  	_ =	shalt  }
0x43: {  	_ =	shalt  }
0x44: {  	_ =	shalt  }
0x45: {  	_ =	shalt  }
0x46: {  	_ =	shalt  }
0x47: {  	_ =	shalt  }
0x48: {  	_ =	shalt  }
0x49: {  	_ =	shalt  }
0x4a: {  	_ =	shalt  }
0x4b: {  	_ =	shalt  }
0x4c: {  	_ =	shalt  }
0x4d: {  	_ =	shalt  }
0x4e: {  	_ =	shalt  }
0x4f: {  	_ =	shalt  }
0x50: {  	_ =	shalt  }
0x51: {  	_ =	shalt  }
0x52: {  	_ =	shalt  }
0x53: {  	_ =	shalt  }
0x54: {  	_ =	shalt  }
0x55: {  	_ =	shalt  }
0x56: {  	_ =	shalt  }
0x57: {  	_ =	shalt  }
0x58: {  	_ =	shalt  }
0x59: {  	_ =	shalt  }
0x5a: {  	_ =	shalt  }
0x5b: {  	_ =	shalt  }
0x5c: {  	_ =	shalt  }
0x5d: {  	_ =	shalt  }
0x5e: {  	_ =	shalt  }
0x5f: {  	_ =	shalt  }
0x60: {  	_ =	shalt  }
0x61: {  	_ =	shalt  }
0x62: {  	_ =	shalt  }
0x63: {  	_ =	shalt  }
0x64: {  	_ =	shalt  }
0x65: {  	_ =	shalt  }
0x66: {  	_ =	shalt  }
0x67: {  	_ =	shalt  }
0x68: {  	_ =	shalt  }
0x69: {  	_ =	shalt  }
0x6a: {  	_ =	shalt  }
0x6b: {  	_ =	shalt  }
0x6c: {  	_ =	shalt  }
0x6d: {  	_ =	shalt  }
0x6e: {  	_ =	shalt  }
0x6f: {  	_ =	shalt  }
0x70: {  	_ =	shalt  }
0x71: {  	_ =	shalt  }
0x72: {  	_ =	shalt  }
0x73: {  	_ =	shalt  }
0x74: {  	_ =	shalt  }
0x75: {  	_ =	shalt  }
0x76: {  	_ =	shalt  }
0x77: {  	_ =	shalt  }
0x78: {  	_ =	shalt  }
0x79: {  	_ =	shalt  }
0x7a: {  	_ =	shalt  }
0x7b: {  	_ =	shalt  }
0x7c: {  	_ =	shalt  }
0x7d: {  	_ =	shalt  }
0x7e: {  	_ =	shalt  }
0x7f: {  	_ =	shalt  }
0x80: {  	_ =	shalt  }
0x81: {  	_ =	shalt  }
0x82: {  	_ =	shalt  }
0x83: {  	_ =	shalt  }
0x84: {  	_ =	shalt  }
0x85: {  	_ =	shalt  }
0x86: {  	_ =	shalt  }
0x87: {  	_ =	shalt  }
.Lfunc_end0:
.L_simem_size_0:
called_computation.1_lowered:
.L_overlay_start_0:
0x88: {  	s2 =	sld [smem:$0x3FD9]  }
0x89: {  	s3 =	sld [smem:$0x3FFE];
	_ =	sdelay $0x1  }
0x8a: {  	s1 =	srdreg.scid  }
0x8b: {  	s0 =	sand.u32 $0x1, s1  }
0x8c: {  	s17 =	sshll.u32 s0, $0xA;
	s2 =	sadd.s32 s3, s2  }
0x8d: {  	s2 =	sadd.s32 s2, s17  }
0x8e: {  	[smem:$0x3FBF] =	sst s2  }
0x8f: {  	_ = 	snop  }
0x90: {  	s2 =	sld [smem:$0x3FC6]  }
0x91: {  	s18 =	sld [smem:$0x3FC5]  }
0x92: {  	s4 =	sld [smem:$0x3FC4]  }
0x93: {  	s5 =	sld [smem:$0x3FC3]  }
0x94: {  	s6 =	sld [smem:$0x3FC2]  }
0x95: {  	s7 =	sld [smem:$0x3FC1]  }
0x96: {  	s8 =	sld [smem:$0x3FD0];
	(tm) =	ssettm $0x1  }
0x97: {  	s9 =	sld [smem:$0x3FFB];
	_ =	sdelay $0x3  }
0x98: {  	_ =	strace s9  }
0x99: {  	s9 =	sld [smem:$0x3FFC];
	_ =	sdelay $0x3  }
0x9a: {  	_ =	strace s9  }
0x9b: {  	s9 =	sld [smem:$0x3FFD];
	_ =	sdelay $0x3  }
0x9c: {  	_ =	strace s9  }
0x9d: {  	_ =	strace $0x8FFFFFFF  }
0x9e: {  	s19 =	sld [smem:$0x3FDB];
	_ =	sdelay $0x1  }
0x9f: {  	s10 =	simm.s32 $_scs_section_size  }
0xa0: {  	s11 =	simm.s32 $_size__tile_overlayer_lowered;
	s12 =	simm.s32 $_tile_overlayer_lowered  }
0xa1: {  	s22 =	simm.s32 $0x1BFF;
	s21 =	sshll.u32 s12, $0x1;
	s9 =	sadd.s32 s10, s19  }
0xa2: {  	s13 =	simm.s32 $0x0;
	s20 =	sshll.u32 s11, $0x1;
	s11 =	sadd.s32 s21, s9  }
0xa3: {  	[timem:s13], [sflag:s22] =	dma.local [hbm:s11], s20  }
0xa4: {  	_ =	swait.ge [sflag:s22], s20  }
0xa5: {  	s10 =	ssub.s32 $0x0, s20;
	[sflag:s22] =	ssyncset.done $0x0  }
0xa6: {  	[sflag:s22] =	ssyncadd.s32 s10;
	_ =	sdelay $0x1  }
0xa7: {  	s23 =	simm.s32 $0x1B8B  }
0xa8: {  	_ =	swait.ge [sflag:s23], $0x1  }
0xa9: {  	[sflag:s23] =	ssyncset.done $0x0  }
0xaa: {  	s25 =	simm.s32 $0x1B8E;
	s24 =	sld [smem:$0x3FFE];
	[sflag:s23] =	ssyncadd.s32 $0xFFFFFFFF  }
0xab: {  	s26 =	simm.s32 $execute0_lowered;
	[smem:$0x3FD2] =	sst s25  }
0xac: {  	s11 =	sshll.u32 s26, $0x1;
	_ =	strace $0x80000049;
	[dreg:$0x1] =	wrdreg $0xFFFFFFFF  }
0xad: {  	s28 =	simm.s32 $_size_execute0_lowered;
	s9 =	sadd.s32 s9, s11;
	[dreg:$0x0] =	wrdreg $0x0  }
0xae: {  	s11 =	sshll.u32 s28, $0x1;
	[dreg:$0x2] =	wrdreg s9  }
0xaf: {  	[dreg:$0x3] =	wrdreg s11  }
0xb0: {  	[dreg:$0x4] =	wrdreg $0xC0  }
0xb1: {  	_ =	task [dreg:s13], $0x5FFFF  }
0xb2: {  	[dreg:$0x1] =	wrdreg $0xFFFFFFFF  }
0xb3: {  	[dreg:$0x0] =	wrdreg $0x60  }
0xb4: {  	[dreg:$0x2] =	wrdreg s24  }
0xb5: {  	[dreg:$0x3] =	wrdreg s6  }
0xb6: {  	[dreg:$0x4] =	wrdreg s7  }
0xb7: {  	[dreg:$0x5] =	wrdreg s5  }
0xb8: {  	[dreg:$0x6] =	wrdreg s2  }
0xb9: {  	[dreg:$0x7] =	wrdreg s18  }
0xba: {  	[dreg:$0x8] =	wrdreg s4  }
0xbb: {  	[dreg:$0x9] =	wrdreg s8  }
0xbc: {  	[dreg:$0xa] =	wrdreg $0x9  }
0xbd: {  	_ =	task.clear_ibuf [dreg:s13], $0xBFFFF;
	_ =	strace $0x90000049  }
0xbe: {  	s29 =	simm.s32 $0x9;
	_ =	strace $0x8000004B  }
0xbf: {  	_ =	swait.ge [sflag:s29], $0x1  }
0xc0: {  	[sflag:s29] =	ssyncadd.s32 $0xFFFFFFFF  }
0xc1: {  	_ =	strace $0x9000004B  }
0xc2: {  	_ =	sfence  }
0xc3: {  	s30 =	sld [smem:$0x0];
	_ =	sdelay $0x2  }
0xc4: {  	s31 =	sshll.u32 s1, $0xD;
	s1 =	sshrl.u32 s1, $0x2  }
0xc5: {  	s3 =	sand.u32 $0x4000, s31;
	s1 =	sadd.s32 s1, s30  }
0xc6: {  	s0 =	sor.u32 s3, s0;
	s1 =	sshll.u32 s1, $0x11  }
0xc7: {  	s0 =	sor.u32 s1, s0  }
0xc8: {  	s0 =	sadd.s32 $0x8F2B, s0  }
0xc9: {  	[sflag:s0] =	ssyncadd.remote.s32 $0x1  }
0xca: {  	_ =	sfence.sel $0xFFFF  }
0xcb: {  	[dreg:$0x0] =	wrdreg $0xFFFFFFFF;
	(pc) =	sbr.abs _section_cstart, $3  }
0xcc: {  	[dreg:$0x1] =	wrdreg $0xFFFFFFFF  }
0xcd: {  	_ =	task.clear_ibuf [dreg:s13], $0x2FFFF;
	_ =	strace $0x9FFFFFFF  }
0xce: {  	(tm) =	ssettm $0x7FFFFFFF  }
0xcf: {  	_ =	shalt  }
tec
execute0_lowered:
.L_overlay_start_1:
0x0: {  	(tag) =	ssettag $0x1  }
0x1: {  	s3 =	rddreg [dreg:$0x0]  }
0x2: {  	s0 =	rddreg [dreg:$0x1]  }
0x3: {  	s1 =	rddreg [dreg:$0x2]  }
0x4: {  	s2 =	rddreg [dreg:$0x3]  }
0x5: {  	s4 =	rddreg [dreg:$0x4]  }
0x6: {  	s5 =	rddreg [dreg:$0x5]  }
0x7: {  	s7 =	rddreg [dreg:$0x6]  }
0x8: {  	s6 =	srdreg.scid;
	s9 =	stileid.u32  }
0x9: {  	s8 =	rddreg [dreg:$0x7];
	s31 =	simm.s32 $0x1AF00;
	s21 =	simm.s32 $0x1DF00  }
0xa: {  	s6 =	sand.u32 $0x1, s6;
	s10 =	sshll.u32 s9, $0x1;
	s9 =	simm.s32 $0x0  }
0xb: {  	s3 =	sadd.s32 $0xE00, s3;
	s10 =	sor.u32 s6, s10;
	s6 =	ssub.s32 $0x2, s6  }
0xc: {  	[smem:$0x7FF] =	sst s9;
	s10 =	smul.u32 $0x186A0, s10;
	s23 =	sshrl.u32 s6, $0x1  }
0xd: {  	_ =	strace $0x8000004A;
	[dreg:$0x9] =	wrdreg s3;
	s3 =	ssub.s32 s6, s23  }
0xe: {  	s22 =	simm.s32 $0x1;
	s11 =	sshrl.u32 s10, $0x3;
	s3 =	smax.u32 s3, $0x1  }
0xf: {  	s13 =	simm.s32 $0x0;
	s24 =	sadd.s32 s0, s11;
	[dreg:$0x10] =	wrdreg s3  }
0x10: {  	s6 =	simm.s32 $0x1BF00;
	s25 =	sadd.s32 s1, s11;
	[dreg:$0xa] =	wrdreg s24  }
0x11: {  	s23 =	simm.s32 $0x1E700;
	s26 =	sadd.s32 s2, s11;
	[dreg:$0xb] =	wrdreg s25  }
0x12: {  	s18 =	sadd.s32 $0x7D0, s10;
	s28 =	sadd.s32 s4, s11;
	[dreg:$0xc] =	wrdreg s26  }
0x13: {  	s19 =	sadd.s32 $0xFA0, s10;
	s29 =	sadd.s32 s5, s11;
	[dreg:$0xd] =	wrdreg s28  }
0x14: {  	s30 =	sadd.s32 s7, s11;
	s3 =	simm.s32 $0x1CF00;
	[dreg:$0xe] =	wrdreg s29  }
0x15: {  	[dreg:$0xf] =	wrdreg s30;
	s24 =	simm.s32 $0x2;
	s25 =	simm.s32 $0x1EF00  }
.LBB2_1:
0x16: {  	[dreg:$0x11] =	wrdreg s13  }
0x17: {  	s11 =	rddreg [dreg:$0xa];
	s12 =	simm.s32 $0x18700  }
0x18: {  	[tilespmem:s12], [sflag:$0x1] =	stream.linear.gather [hbm4b:s11+s9], $0x7D0, $0x38;
	[tilespmem:$0x1F700] =	vst v63  }
0x19: {  	s29 =	rddreg [dreg:$0xb];
	s30 =	simm.s32 $0x19700  }
0x1a: {  	[tilespmem:s30], [sflag:$0x1] =	stream.linear.gather [hbm4b:s29+s9], $0x7D0, $0x38;
	[tilespmem:$0x1F700] =	vst v63  }
0x1b: {  	s13 =	rddreg [dreg:$0xc];
	s14 =	simm.s32 $0x1A700  }
0x1c: {  	[tilespmem:s14], [sflag:$0x1] =	stream.linear.gather [hbm4b:s13+s9], $0x7D0, $0x38;
	[tilespmem:$0x1F700] =	vst v63  }
0x1d: {  	s15 =	rddreg [dreg:$0xd];
	s16 =	simm.s32 $0x1B700  }
0x1e: {  	[tilespmem:s16], [sflag:$0x1] =	stream.linear.gather [hbm4b:s15+s9], $0x7D0, $0x38;
	[tilespmem:$0x1F700] =	vst v63  }
0x1f: {  	s17 =	rddreg [dreg:$0xe];
	s20 =	simm.s32 $0x1C700  }
0x20: {  	[tilespmem:s20], [sflag:$0x1] =	stream.linear.gather [hbm4b:s17+s9], $0x7D0, $0x38;
	[tilespmem:$0x1F700] =	vst v63  }
0x21: {  	s26 =	rddreg [dreg:$0xf];
	s28 =	simm.s32 $0x1D700  }
0x22: {  	[tilespmem:s28], [sflag:$0x1] =	stream.linear.gather [hbm4b:s26+s9], $0x7D0, $0x38;
	[tilespmem:$0x1F700] =	vst v63  }
0x23: {  	s29 =	rddreg [dreg:$0x9];
	s30 =	simm.s32 $0x5  }
0x24: {  	[tilespmem:s9], [sflag:$0x5] =	stream.linear.gather [hbm4b:s29+s9], $0x18700, $0x38;
	[tilespmem:$0x1F700] =	vst v63  }
0x25: {  	_ =	swait.ge [sflag:s30], $0x18700  }
0x26: {  	[sflag:s30] =	ssyncset.done $0x0  }
0x27: {  	s13 =	simm.s32 $0x0;
	[sflag:s30] =	ssyncadd.s32 $0xFFFE7900  }
.LBB2_2:
0x28: {  	s15 =	smul.u32 $0xFA0, s13;
	_ =	sdelay $0x1  }
0x29: {  	s11 =	sadd.s32 s15, s18  }
0x2a: {  	s14 =	sshrl.u32 s11, $0x3  }
0x2b: {  	s12 =	simm.s32 $0x18F00;
	s11 =	sadd.s32 s0, s14  }
0x2c: {  	[tilespmem:s12], [sflag:$0x2] =	stream.linear.gather [hbm4b:s11+s9], $0x7D0, $0x38;
	[tilespmem:$0x1F700] =	vst v63  }
0x2d: {  	s26 =	simm.s32 $0x19F00;
	s20 =	sadd.s32 s1, s14  }
0x2e: {  	[tilespmem:s26], [sflag:$0x2] =	stream.linear.gather [hbm4b:s20+s9], $0x7D0, $0x38;
	[tilespmem:$0x1F700] =	vst v63  }
0x2f: {  	s16 =	sadd.s32 s2, s14  }
0x30: {  	[tilespmem:s31], [sflag:$0x2] =	stream.linear.gather [hbm4b:s16+s9], $0x7D0, $0x38;
	[tilespmem:$0x1F700] =	vst v63  }
0x31: {  	s17 =	sadd.s32 s4, s14  }
0x32: {  	[tilespmem:s6], [sflag:$0x2] =	stream.linear.gather [hbm4b:s17+s9], $0x7D0, $0x38;
	[tilespmem:$0x1F700] =	vst v63  }
0x33: {  	s20 =	sadd.s32 s5, s14  }
0x34: {  	[tilespmem:s3], [sflag:$0x2] =	stream.linear.gather [hbm4b:s20+s9], $0x7D0, $0x38;
	[tilespmem:$0x1F700] =	vst v63  }
0x35: {  	s26 =	sadd.s32 s7, s14  }
0x36: {  	[tilespmem:s21], [sflag:$0x2] =	stream.linear.gather [hbm4b:s26+s9], $0x7D0, $0x38;
	[tilespmem:$0x1F700] =	vst v63  }
0x37: {  	_ =	swait.ge [sflag:s22], $0x7D0  }
0x38: {  	[sflag:s22] =	ssyncset.done $0x0  }
0x39: {  	[sflag:s22] =	ssyncadd.s32 $0xFFFFF830  }
0x3a: {  	_ =	swait.ge [sflag:s22], $0x7D0  }
0x3b: {  	[sflag:s22] =	ssyncset.done $0x0  }
0x3c: {  	[sflag:s22] =	ssyncadd.s32 $0xFFFFF830  }
0x3d: {  	_ =	swait.ge [sflag:s22], $0x7D0  }
0x3e: {  	[sflag:s22] =	ssyncset.done $0x0  }
0x3f: {  	[sflag:s22] =	ssyncadd.s32 $0xFFFFF830  }
0x40: {  	_ =	swait.ge [sflag:s22], $0x7D0  }
0x41: {  	[sflag:s22] =	ssyncset.done $0x0  }
0x42: {  	[sflag:s22] =	ssyncadd.s32 $0xFFFFF830  }
0x43: {  	_ =	swait.ge [sflag:s22], $0x7D0  }
0x44: {  	[sflag:s22] =	ssyncset.done $0x0  }
0x45: {  	[sflag:s22] =	ssyncadd.s32 $0xFFFFF830  }
0x46: {  	_ =	swait.ge [sflag:s22], $0x7D0  }
0x47: {  	p0 =	seq.s32 s13, $0x0;
	[sflag:s22] =	ssyncset.done $0x0  }
0x48: {  	s11 =	simm.s32 @!p0 $0x3;
	[sflag:s22] =	ssyncadd.s32 $0xFFFFF830  }
0x49: {  	_ =	swait.ge @!p0 [sflag:s11], $0x7D0  }
0x4a: {  	[sflag:s11] =	ssyncset.done @!p0 $0x0  }
0x4b: {  	s12 =	simm.s32 $0x18720;
	[sflag:s11] =	ssyncadd.s32 @!p0 $0xFFFFF830  }
0x4c: {  	s16 =	simm.s32 $0x19720;
	v0 =	vld [tilespmem:s12+$0x20]  }
0x4d: {  	v1 =	vld [tilespmem:s16+$0x20]  }
0x4e: {  	v2 =	vld [tilespmem:s16+$0xFFFFFFE0]  }
0x4f: {  	v3 =	vld [tilespmem:s12+$0xFFFFFFF0]  }
0x50: {  	v4 =	vld [tilespmem:s16+$0xFFFFFFF0]  }
0x51: {  	v5 =	vld [tilespmem:s12+$0x0]  }
0x52: {  	s17 =	simm.s32 $0x1D720;
	v6 =	vld [tilespmem:s16+$0x0]  }
0x53: {  	v7 =	vld [tilespmem:s17+$0x20]  }
0x54: {  	s20 =	simm.s32 $0x1A720;
	v8 =	vld [tilespmem:s12+$0x10]  }
0x55: {  	v9 =	vld [tilespmem:s20+$0x20]  }
0x56: {  	s28 =	simm.s32 $0x1B720;
	v12 =	vld [tilespmem:s12+$0xFFFFFFE0]  }
0x57: {  	v10 =	vld [tilespmem:s28+$0x20]  }
0x58: {  	s26 =	simm.s32 $0x1C720;
	v11 =	vld [tilespmem:s16+$0x10]  }
0x59: {  	v14 =	vld [tilespmem:s26+$0x20]  }
0x5a: {  	v0 =	vld.idx.msk [tilespmem:v0+s9+$0x0], $0xffff  }
0x5b: {  	v13 =	vmul.f32 v7, v7;
	v1 =	vld.idx.msk [tilespmem:v1+s9+$0x0], $0xffff  }
0x5c: {  	v17 =	vld [tilespmem:s17+$0xFFFFFFE0]  }
0x5d: {  	v7 =	vmul.f32 v13, v7;
	v13 =	vld [tilespmem:s17+$0xFFFFFFF0]  }
0x5e: {  	v12 =	vld.idx.msk [tilespmem:v12+s9+$0x0], $0xffff  }
0x5f: {  	v4 =	vld.idx.msk [tilespmem:v4+s9+$0x0], $0xffff  }
0x60: {  	v5 =	vld.idx.msk [tilespmem:v5+s9+$0x0], $0xffff;
	v15 =	vand.u32 $0xFFFF0000, v0;
	v16 =	vand.u32 $0xFFFF0000, v1  }
0x61: {  	v9 =	vmul.f32 $3.255261390e-09, v9;
	v8 =	vld.idx.msk [tilespmem:v8+s9+$0x0], $0xffff;
	v7 =	vmul.f32 $4.444444310e-25, v7;
	v15 =	vsub.f32 v16, v15  }
0x62: {  	v10 =	vmul.f32 $1.000000010e-01, v10;
	v16 =	vld [tilespmem:s17+$0x0]  }
0x63: {  	v7 =	vmul.f32 v7, v14;
	v9 =	vmul.f32 v15, v9;
	v15 =	vld [tilespmem:s17+$0x10]  }
0x64: {  	v14 =	vmul.f32 v13, v13;
	v0 =	vshll.u32 v0, $0x10;
	v1 =	vshll.u32 v1, $0x10  }
0x65: {  	v18 =	vshll.u32 v4, $0x10;
	v9 =	vadd.f32 v9, v10;
	v10 =	vld.idx.msk [tilespmem:v3+s9+$0x0], $0xffff;
	v3 =	vmul.f32 v17, v17  }
0x66: {  	v2 =	vld.idx.msk [tilespmem:v2+s9+$0x0], $0xffff;
	v21 =	vshll.u32 v5, $0x10;
	v26 =	vshll.u32 v8, $0x10;
	v0 =	vadd.f32 v1, v0  }
0x67: {  	v1 =	vsub.f32 v9, v7;
	v3 =	vmul.f32 v3, v17;
	v7 =	vmul.f32 v16, v16  }
0x68: {  	v22 =	vld [tilespmem:s28+$0xFFFFFFE0];
	v9 =	vmul.f32 v14, v13;
	v17 =	vand.u32 $0xFFFF0000, v12;
	v13 =	vmul.f32 v15, v15  }
0x69: {  	v6 =	vld.idx.msk [tilespmem:v6+s9+$0x0], $0xffff;
	v14 =	vadd.f32 v1, v0;
	v0 =	vmul.f32 $4.444444310e-25, v3;
	v3 =	vmul.f32 v7, v16  }
0x6a: {  	v11 =	vld.idx.msk [tilespmem:v11+s9+$0x0], $0xffff;
	v12 =	vshll.u32 v12, $0x10;
	v1 =	vmul.f32 $4.444444310e-25, v9;
	v9 =	vmul.f32 v13, v15  }
0x6b: {  	v7 =	vand.u32 $0xFFFF0000, v2;
	v16 =	vld [tilespmem:s20+$0xFFFFFFE0];
	v13 =	vshll.u32 v2, $0x10;
	v15 =	vand.u32 $0xFFFF0000, v10  }
0x6c: {  	v7 =	vsub.f32 v7, v17;
	v2 =	vmul.f32 $4.444444310e-25, v3;
	v3 =	vmul.f32 $4.444444310e-25, v9;
	v9 =	vld [tilespmem:s20+$0xFFFFFFF0]  }
0x6d: {  	v19 =	vld [tilespmem:s20+$0x0];
	v17 =	vand.u32 $0xFFFF0000, v4;
	v10 =	vshll.u32 v10, $0x10;
	v4 =	vand.u32 $0xFFFF0000, v5  }
0x6e: {  	v20 =	vld [tilespmem:s20+$0x10];
	v5 =	vand.u32 $0xFFFF0000, v8;
	v15 =	vsub.f32 v17, v15;
	v17 =	vand.u32 $0xFFFF0000, v6  }
0x6f: {  	v23 =	vld [tilespmem:s28+$0xFFFFFFF0];
	v17 =	vsub.f32 v17, v4;
	v4 =	vadd.f32 v13, v12;
	v12 =	vand.u32 $0xFFFF0000, v11  }
0x70: {  	v25 =	vld [tilespmem:s28+$0x0];
	v6 =	vshll.u32 v6, $0x10;
	v24 =	vsub.f32 v12, v5;
	v16 =	vmul.f32 $3.255261390e-09, v16  }
0x71: {  	v8 =	vld [tilespmem:s28+$0x10];
	v5 =	vadd.f32 v18, v10;
	v18 =	vmul.f32 $1.000000010e-01, v22;
	v13 =	vmul.f32 $3.255261390e-09, v9  }
0x72: {  	v11 =	vshll.u32 v11, $0x10;
	v16 =	vmul.f32 v7, v16;
	v7 =	vmul.f32 $3.255261390e-09, v19;
	v9 =	vld [tilespmem:s26+$0xFFFFFFE0]  }
0x73: {  	v6 =	vadd.f32 v6, v21;
	v10 =	vld [tilespmem:s26+$0xFFFFFFF0];
	v12 =	vmul.f32 v15, v13;
	v15 =	vmul.f32 $3.255261390e-09, v20  }
0x74: {  	s11 =	simm.s32 $0x1E720;
	v13 =	vmul.f32 v17, v7;
	v7 =	vadd.f32 v11, v26;
	v17 =	vmul.f32 $1.000000010e-01, v23;
	v11 =	vld [tilespmem:s26+$0x0]  }
0x75: {  	s29 =	simm.s32 $0x0;
	s30 =	simm.s32 $0x18770;
	s12 =	sadd.s32 s10, s15;
	[tilespmem:s11+$0x20] =	vst v14;
	v14 =	vld [tilespmem:s26+$0x10];
	v16 =	vadd.f32 v16, v18;
	v18 =	vmul.f32 $1.000000010e-01, v25;
	v15 =	vmul.f32 v24, v15  }
.LBB2_3:
0x76: {  	v19 =	vld [tilespmem:s30+$0x20];
	v12 =	vadd.f32 v12, v17;
	v8 =	vmul.f32 $1.000000010e-01, v8;
	s16 =	sadd.s32 $0x50, s16  }
0x77: {  	s29 =	sadd.s32 $0x50, s29;
	v17 =	vld [tilespmem:s16+$0x20];
	v0 =	vmul.f32 v0, v9;
	v9 =	vadd.f32 v13, v18  }
0x78: {  	p1 =	slt.u32 s29, $0x780;
	v13 =	vld [tilespmem:s16+$0xFFFFFFE0];
	v1 =	vmul.f32 v1, v10;
	v8 =	vadd.f32 v15, v8  }
0x79: {  	v10 =	vld [tilespmem:s30+$0xFFFFFFF0];
	v0 =	vsub.f32 v16, v0;
	v2 =	vmul.f32 v2, v11  }
0x7a: {  	v11 =	vld [tilespmem:s16+$0xFFFFFFF0];
	v1 =	vsub.f32 v12, v1;
	v3 =	vmul.f32 v3, v14  }
0x7b: {  	v12 =	vld [tilespmem:s30+$0x0];
	v0 =	vadd.f32 v0, v4;
	v2 =	vsub.f32 v9, v2  }
0x7c: {  	s17 =	sadd.s32 $0x50, s17;
	v4 =	vld [tilespmem:s16+$0x0];
	v1 =	vadd.f32 v1, v5;
	v3 =	vsub.f32 v8, v3  }
0x7d: {  	v5 =	vld [tilespmem:s17+$0x20];
	[tilespmem:s11+$0xFFFFFFE0] =	vst v0;
	v0 =	vadd.f32 v2, v6  }
0x7e: {  	v2 =	vld.idx.msk [tilespmem:v19+s9+$0x0], $0xffff;
	[tilespmem:s11+$0xFFFFFFF0] =	vst v1;
	v1 =	vadd.f32 v3, v7  }
0x7f: {  	v3 =	vld.idx.msk [tilespmem:v17+s9+$0x0], $0xffff;
	[tilespmem:s11+$0x0] =	vst v0  }
0x80: {  	s20 =	sadd.s32 $0x50, s20;
	v6 =	vld [tilespmem:s30+$0x10];
	[tilespmem:s11+$0x10] =	vst v1  }
0x81: {  	s28 =	sadd.s32 $0x50, s28;
	v0 =	vld [tilespmem:s20+$0x20]  }
0x82: {  	v1 =	vld [tilespmem:s28+$0x20]  }
0x83: {  	v7 =	vld [tilespmem:s16+$0x10]  }
0x84: {  	s26 =	sadd.s32 $0x50, s26;
	v9 =	vmul.f32 v5, v5;
	v8 =	vld [tilespmem:s30+$0xFFFFFFE0]  }
0x85: {  	v15 =	vand.u32 $0xFFFF0000, v2;
	v16 =	vand.u32 $0xFFFF0000, v3;
	v14 =	vld [tilespmem:s26+$0x20]  }
0x86: {  	v5 =	vmul.f32 v9, v5;
	v15 =	vsub.f32 v16, v15;
	v17 =	vld [tilespmem:s17+$0xFFFFFFE0];
	v0 =	vmul.f32 $3.255261390e-09, v0  }
0x87: {  	v9 =	vld [tilespmem:s17+$0xFFFFFFF0];
	v1 =	vmul.f32 $1.000000010e-01, v1  }
0x88: {  	v5 =	vmul.f32 $4.444444310e-25, v5;
	v16 =	vld [tilespmem:s17+$0x0];
	v0 =	vmul.f32 v15, v0  }
0x89: {  	v15 =	vld [tilespmem:s17+$0x10]  }
0x8a: {  	v13 =	vld.idx.msk [tilespmem:v13+s9+$0x0], $0xffff;
	v0 =	vadd.f32 v0, v1;
	v1 =	vmul.f32 v5, v14  }
0x8b: {  	v2 =	vshll.u32 v2, $0x10;
	v3 =	vshll.u32 v3, $0x10;
	v5 =	vmul.f32 v17, v17;
	v10 =	vld.idx.msk [tilespmem:v10+s9+$0x0], $0xffff  }
0x8c: {  	v2 =	vadd.f32 v3, v2;
	v8 =	vld.idx.msk [tilespmem:v8+s9+$0x0], $0xffff;
	v14 =	vmul.f32 v9, v9;
	v0 =	vsub.f32 v0, v1  }
0x8d: {  	v1 =	vmul.f32 v5, v17;
	v5 =	vld.idx.msk [tilespmem:v11+s9+$0x0], $0xffff;
	v3 =	vmul.f32 v16, v16  }
0x8e: {  	v9 =	vmul.f32 v14, v9;
	v11 =	vld.idx.msk [tilespmem:v12+s9+$0x0], $0xffff;
	v12 =	vmul.f32 v15, v15;
	v2 =	vadd.f32 v0, v2  }
0x8f: {  	s11 =	sadd.s32 $0x50, s11;
	v0 =	vmul.f32 $4.444444310e-25, v1;
	v4 =	vld.idx.msk [tilespmem:v4+s9+$0x0], $0xffff;
	v3 =	vmul.f32 v3, v16  }
0x90: {  	v14 =	vand.u32 $0xFFFF0000, v13;
	v1 =	vmul.f32 $4.444444310e-25, v9;
	v6 =	vld.idx.msk [tilespmem:v6+s9+$0x0], $0xffff;
	v9 =	vmul.f32 v12, v15;
	[tilespmem:s11+$0x20] =	vst v2  }
0x91: {  	v12 =	vshll.u32 v13, $0x10;
	v13 =	vand.u32 $0xFFFF0000, v10;
	v2 =	vmul.f32 $4.444444310e-25, v3;
	v7 =	vld.idx.msk [tilespmem:v7+s9+$0x0], $0xffff  }
0x92: {  	v16 =	vand.u32 $0xFFFF0000, v8;
	v8 =	vshll.u32 v8, $0x10;
	v15 =	vld [tilespmem:s20+$0xFFFFFFE0];
	v3 =	vmul.f32 $4.444444310e-25, v9  }
0x93: {  	v10 =	vshll.u32 v10, $0x10;
	v9 =	vsub.f32 v14, v16;
	v16 =	vand.u32 $0xFFFF0000, v5;
	v14 =	vld [tilespmem:s20+$0xFFFFFFF0]  }
0x94: {  	v5 =	vshll.u32 v5, $0x10;
	v13 =	vsub.f32 v16, v13;
	v17 =	vand.u32 $0xFFFF0000, v11;
	v16 =	vld [tilespmem:s20+$0x0]  }
0x95: {  	v11 =	vshll.u32 v11, $0x10;
	v18 =	vand.u32 $0xFFFF0000, v4;
	v19 =	vshll.u32 v4, $0x10;
	v20 =	vld [tilespmem:s20+$0x10]  }
0x96: {  	v17 =	vsub.f32 v18, v17;
	v18 =	vand.u32 $0xFFFF0000, v6;
	v22 =	vshll.u32 v6, $0x10;
	v21 =	vld [tilespmem:s28+$0xFFFFFFE0]  }
0x97: {  	v23 =	vand.u32 $0xFFFF0000, v7;
	v7 =	vshll.u32 v7, $0x10;
	v6 =	vmul.f32 $3.255261390e-09, v15;
	v15 =	vld [tilespmem:s28+$0xFFFFFFF0]  }
0x98: {  	v4 =	vadd.f32 v12, v8;
	v18 =	vsub.f32 v23, v18;
	v12 =	vmul.f32 $3.255261390e-09, v14;
	v14 =	vld [tilespmem:s28+$0x0]  }
.Ltmp0:
0x99: {  	v5 =	vadd.f32 v5, v10;
	v23 =	vmul.f32 v9, v6;
	v16 =	vmul.f32 $3.255261390e-09, v16;
	v8 =	vld [tilespmem:s28+$0x10];
	(pc) =	sbr.rel @p1 .LBB2_3-.Ltmp0, $4  }
0x9a: {  	v6 =	vadd.f32 v19, v11;
	v9 =	vld [tilespmem:s26+$0xFFFFFFE0];
	v12 =	vmul.f32 v13, v12;
	v19 =	vmul.f32 $3.255261390e-09, v20  }
0x9b: {  	v7 =	vadd.f32 v7, v22;
	v20 =	vmul.f32 $1.000000010e-01, v21;
	v10 =	vld [tilespmem:s26+$0xFFFFFFF0];
	v13 =	vmul.f32 v17, v16  }
0x9c: {  	v17 =	vmul.f32 $1.000000010e-01, v15;
	v11 =	vld [tilespmem:s26+$0x0];
	v15 =	vmul.f32 v18, v19  }
0x9d: {  	s30 =	sadd.s32 $0x50, s30;
	v16 =	vadd.f32 v23, v20;
	v18 =	vmul.f32 $1.000000010e-01, v14;
	v14 =	vld [tilespmem:s26+$0x10]  }
0x9e: {  	_ = 	snop  }
0x9f: {  	v0 =	vmul.f32 v0, v9  }
0xa0: {  	v8 =	vmul.f32 $1.000000010e-01, v8;
	v9 =	vadd.f32 v12, v17;
	v1 =	vmul.f32 v1, v10  }
0xa1: {  	v10 =	vadd.f32 v13, v18;
	v0 =	vsub.f32 v16, v0;
	v2 =	vmul.f32 v2, v11  }
0xa2: {  	v8 =	vadd.f32 v15, v8;
	v1 =	vsub.f32 v9, v1;
	v3 =	vmul.f32 v3, v14  }
0xa3: {  	v0 =	vadd.f32 v0, v4;
	v2 =	vsub.f32 v10, v2  }
0xa4: {  	v1 =	vadd.f32 v1, v5;
	v3 =	vsub.f32 v8, v3  }
0xa5: {  	[tilespmem:s11+$0xFFFFFFE0] =	vst v0;
	v0 =	vadd.f32 v2, v6  }
0xa6: {  	[tilespmem:s11+$0xFFFFFFF0] =	vst v1;
	v1 =	vadd.f32 v3, v7  }
0xa7: {  	s12 =	sshrl.u32 s12, $0x3;
	p1 =	seq.s32 s13, $0x18;
	[tilespmem:s11+$0x0] =	vst v0  }
0xa8: {  	s29 =	sadd.s32 s8, s12;
	[tilespmem:s11+$0x10] =	vst v1;
	s11 =	sadd.s32 @!p1 s15, s19  }
0xa9: {  	[hbm4b:s29+s9] =	stream.linear.scatter [tilespmem:s23], [sflag:$0x3], $0x7D0, $0x38;
	[tilespmem:$0x1F700] =	vst v63  }
0xaa: {  	s11 =	sshrl.u32 @!p1 s11, $0x3  }
0xab: {  	s16 =	simm.s32 @!p1 $0x18700;
	s15 =	simm.s32 @!p1 $0x0;
	s12 =	sadd.s32 @!p1 s0, s11  }
0xac: {  	[tilespmem:s16], [sflag:$0x1] =	stream.linear.gather @!p1 [hbm4b:s12+s15], $0x7D0, $0x38;
	[tilespmem:$0x1F700] =	vst v63  }
0xad: {  	s12 =	sadd.s32 @!p1 s1, s11;
	s16 =	simm.s32 @!p1 $0x19700  }
0xae: {  	[tilespmem:s16], [sflag:$0x1] =	stream.linear.gather @!p1 [hbm4b:s12+s15], $0x7D0, $0x38;
	[tilespmem:$0x1F700] =	vst v63  }
0xaf: {  	s12 =	sadd.s32 @!p1 s2, s11;
	s16 =	simm.s32 @!p1 $0x1A700  }
0xb0: {  	[tilespmem:s16], [sflag:$0x1] =	stream.linear.gather @!p1 [hbm4b:s12+s15], $0x7D0, $0x38;
	[tilespmem:$0x1F700] =	vst v63  }
0xb1: {  	s12 =	sadd.s32 @!p1 s4, s11;
	s16 =	simm.s32 @!p1 $0x1B700  }
0xb2: {  	[tilespmem:s16], [sflag:$0x1] =	stream.linear.gather @!p1 [hbm4b:s12+s15], $0x7D0, $0x38;
	[tilespmem:$0x1F700] =	vst v63  }
0xb3: {  	s12 =	sadd.s32 @!p1 s5, s11;
	s16 =	simm.s32 @!p1 $0x1C700  }
0xb4: {  	[tilespmem:s16], [sflag:$0x1] =	stream.linear.gather @!p1 [hbm4b:s12+s15], $0x7D0, $0x38;
	[tilespmem:$0x1F700] =	vst v63  }
0xb5: {  	s11 =	sadd.s32 @!p1 s7, s11;
	s12 =	simm.s32 @!p1 $0x1D700  }
0xb6: {  	[tilespmem:s12], [sflag:$0x1] =	stream.linear.gather @!p1 [hbm4b:s11+s15], $0x7D0, $0x38;
	[tilespmem:$0x1F700] =	vst v63  }
0xb7: {  	_ =	swait.ge [sflag:s24], $0x7D0  }
0xb8: {  	[sflag:s24] =	ssyncset.done $0x0  }
0xb9: {  	[sflag:s24] =	ssyncadd.s32 $0xFFFFF830  }
0xba: {  	_ =	swait.ge [sflag:s24], $0x7D0  }
0xbb: {  	[sflag:s24] =	ssyncset.done $0x0  }
0xbc: {  	[sflag:s24] =	ssyncadd.s32 $0xFFFFF830  }
0xbd: {  	_ =	swait.ge [sflag:s24], $0x7D0  }
0xbe: {  	[sflag:s24] =	ssyncset.done $0x0  }
0xbf: {  	[sflag:s24] =	ssyncadd.s32 $0xFFFFF830  }
0xc0: {  	_ =	swait.ge [sflag:s24], $0x7D0  }
0xc1: {  	[sflag:s24] =	ssyncset.done $0x0  }
0xc2: {  	[sflag:s24] =	ssyncadd.s32 $0xFFFFF830  }
0xc3: {  	_ =	swait.ge [sflag:s24], $0x7D0  }
0xc4: {  	[sflag:s24] =	ssyncset.done $0x0  }
0xc5: {  	[sflag:s24] =	ssyncadd.s32 $0xFFFFF830  }
0xc6: {  	_ =	swait.ge [sflag:s24], $0x7D0  }
0xc7: {  	[sflag:s24] =	ssyncset.done $0x0  }
0xc8: {  	s11 =	simm.s32 @!p0 $0x4;
	[sflag:s24] =	ssyncadd.s32 $0xFFFFF830  }
0xc9: {  	_ =	swait.ge @!p0 [sflag:s11], $0x7D0  }
0xca: {  	[sflag:s11] =	ssyncset.done @!p0 $0x0  }
0xcb: {  	s30 =	simm.s32 $0x18F20;
	[sflag:s11] =	ssyncadd.s32 @!p0 $0xFFFFF830  }
0xcc: {  	s15 =	simm.s32 $0x19F20;
	v0 =	vld [tilespmem:s30+$0x20]  }
0xcd: {  	v1 =	vld [tilespmem:s15+$0x20]  }
0xce: {  	v2 =	vld [tilespmem:s15+$0xFFFFFFE0]  }
0xcf: {  	v3 =	vld [tilespmem:s30+$0xFFFFFFF0]  }
0xd0: {  	v4 =	vld [tilespmem:s15+$0xFFFFFFF0]  }
0xd1: {  	v5 =	vld [tilespmem:s30+$0x0]  }
0xd2: {  	s16 =	simm.s32 $0x1DF20;
	v6 =	vld [tilespmem:s15+$0x0]  }
0xd3: {  	v7 =	vld [tilespmem:s16+$0x20]  }
0xd4: {  	s17 =	simm.s32 $0x1AF20;
	v8 =	vld [tilespmem:s30+$0x10]  }
0xd5: {  	v9 =	vld [tilespmem:s17+$0x20]  }
0xd6: {  	s20 =	simm.s32 $0x1BF20;
	v12 =	vld [tilespmem:s30+$0xFFFFFFE0]  }
0xd7: {  	v10 =	vld [tilespmem:s20+$0x20]  }
0xd8: {  	s26 =	simm.s32 $0x1CF20;
	v11 =	vld [tilespmem:s15+$0x10]  }
0xd9: {  	v14 =	vld [tilespmem:s26+$0x20]  }
0xda: {  	v0 =	vld.idx.msk [tilespmem:v0+s9+$0x0], $0xffff  }
0xdb: {  	v13 =	vmul.f32 v7, v7;
	v1 =	vld.idx.msk [tilespmem:v1+s9+$0x0], $0xffff  }
0xdc: {  	v17 =	vld [tilespmem:s16+$0xFFFFFFE0]  }
0xdd: {  	v7 =	vmul.f32 v13, v7;
	v13 =	vld [tilespmem:s16+$0xFFFFFFF0]  }
0xde: {  	v12 =	vld.idx.msk [tilespmem:v12+s9+$0x0], $0xffff  }
0xdf: {  	v4 =	vld.idx.msk [tilespmem:v4+s9+$0x0], $0xffff  }
0xe0: {  	v5 =	vld.idx.msk [tilespmem:v5+s9+$0x0], $0xffff;
	v15 =	vand.u32 $0xFFFF0000, v0;
	v16 =	vand.u32 $0xFFFF0000, v1  }
0xe1: {  	v9 =	vmul.f32 $3.255261390e-09, v9;
	v8 =	vld.idx.msk [tilespmem:v8+s9+$0x0], $0xffff;
	v7 =	vmul.f32 $4.444444310e-25, v7;
	v15 =	vsub.f32 v16, v15  }
0xe2: {  	v10 =	vmul.f32 $1.000000010e-01, v10;
	v16 =	vld [tilespmem:s16+$0x0]  }
0xe3: {  	v7 =	vmul.f32 v7, v14;
	v9 =	vmul.f32 v15, v9;
	v15 =	vld [tilespmem:s16+$0x10]  }
0xe4: {  	v14 =	vmul.f32 v13, v13;
	v0 =	vshll.u32 v0, $0x10;
	v1 =	vshll.u32 v1, $0x10  }
0xe5: {  	v18 =	vshll.u32 v4, $0x10;
	v9 =	vadd.f32 v9, v10;
	v10 =	vld.idx.msk [tilespmem:v3+s9+$0x0], $0xffff;
	v3 =	vmul.f32 v17, v17  }
0xe6: {  	v2 =	vld.idx.msk [tilespmem:v2+s9+$0x0], $0xffff;
	v21 =	vshll.u32 v5, $0x10;
	v26 =	vshll.u32 v8, $0x10;
	v0 =	vadd.f32 v1, v0  }
0xe7: {  	v1 =	vsub.f32 v9, v7;
	v3 =	vmul.f32 v3, v17;
	v7 =	vmul.f32 v16, v16  }
0xe8: {  	v22 =	vld [tilespmem:s20+$0xFFFFFFE0];
	v9 =	vmul.f32 v14, v13;
	v17 =	vand.u32 $0xFFFF0000, v12;
	v13 =	vmul.f32 v15, v15  }
0xe9: {  	v6 =	vld.idx.msk [tilespmem:v6+s9+$0x0], $0xffff;
	v14 =	vadd.f32 v1, v0;
	v0 =	vmul.f32 $4.444444310e-25, v3;
	v3 =	vmul.f32 v7, v16  }
0xea: {  	v11 =	vld.idx.msk [tilespmem:v11+s9+$0x0], $0xffff;
	v12 =	vshll.u32 v12, $0x10;
	v1 =	vmul.f32 $4.444444310e-25, v9;
	v9 =	vmul.f32 v13, v15  }
0xeb: {  	v7 =	vand.u32 $0xFFFF0000, v2;
	v16 =	vld [tilespmem:s17+$0xFFFFFFE0];
	v13 =	vshll.u32 v2, $0x10;
	v15 =	vand.u32 $0xFFFF0000, v10  }
0xec: {  	v7 =	vsub.f32 v7, v17;
	v2 =	vmul.f32 $4.444444310e-25, v3;
	v3 =	vmul.f32 $4.444444310e-25, v9;
	v9 =	vld [tilespmem:s17+$0xFFFFFFF0]  }
0xed: {  	v19 =	vld [tilespmem:s17+$0x0];
	v17 =	vand.u32 $0xFFFF0000, v4;
	v10 =	vshll.u32 v10, $0x10;
	v4 =	vand.u32 $0xFFFF0000, v5  }
0xee: {  	v20 =	vld [tilespmem:s17+$0x10];
	v5 =	vand.u32 $0xFFFF0000, v8;
	v15 =	vsub.f32 v17, v15;
	v17 =	vand.u32 $0xFFFF0000, v6  }
0xef: {  	v23 =	vld [tilespmem:s20+$0xFFFFFFF0];
	v17 =	vsub.f32 v17, v4;
	v4 =	vadd.f32 v13, v12;
	v12 =	vand.u32 $0xFFFF0000, v11  }
0xf0: {  	v25 =	vld [tilespmem:s20+$0x0];
	v6 =	vshll.u32 v6, $0x10;
	v24 =	vsub.f32 v12, v5;
	v16 =	vmul.f32 $3.255261390e-09, v16  }
0xf1: {  	v8 =	vld [tilespmem:s20+$0x10];
	v5 =	vadd.f32 v18, v10;
	v18 =	vmul.f32 $1.000000010e-01, v22;
	v13 =	vmul.f32 $3.255261390e-09, v9  }
0xf2: {  	v11 =	vshll.u32 v11, $0x10;
	v16 =	vmul.f32 v7, v16;
	v7 =	vmul.f32 $3.255261390e-09, v19;
	v9 =	vld [tilespmem:s26+$0xFFFFFFE0]  }
0xf3: {  	v6 =	vadd.f32 v6, v21;
	v10 =	vld [tilespmem:s26+$0xFFFFFFF0];
	v12 =	vmul.f32 v15, v13;
	v15 =	vmul.f32 $3.255261390e-09, v20  }
0xf4: {  	s11 =	simm.s32 $0x1EF20;
	v13 =	vmul.f32 v17, v7;
	v7 =	vadd.f32 v11, v26;
	v17 =	vmul.f32 $1.000000010e-01, v23;
	v11 =	vld [tilespmem:s26+$0x0]  }
0xf5: {  	s28 =	simm.s32 $0x18F70;
	s12 =	simm.s32 $0x0;
	[tilespmem:s11+$0x20] =	vst v14;
	v14 =	vld [tilespmem:s26+$0x10];
	v16 =	vadd.f32 v16, v18;
	v18 =	vmul.f32 $1.000000010e-01, v25;
	v15 =	vmul.f32 v24, v15  }
.LBB2_5:
0xf6: {  	v19 =	vld [tilespmem:s28+$0x20];
	v12 =	vadd.f32 v12, v17;
	v8 =	vmul.f32 $1.000000010e-01, v8;
	s15 =	sadd.s32 $0x50, s15  }
0xf7: {  	s12 =	sadd.s32 $0x50, s12;
	v17 =	vld [tilespmem:s15+$0x20];
	v0 =	vmul.f32 v0, v9;
	v9 =	vadd.f32 v13, v18  }
0xf8: {  	p0 =	slt.u32 s12, $0x780;
	v13 =	vld [tilespmem:s15+$0xFFFFFFE0];
	v1 =	vmul.f32 v1, v10;
	v8 =	vadd.f32 v15, v8  }
0xf9: {  	v10 =	vld [tilespmem:s28+$0xFFFFFFF0];
	v0 =	vsub.f32 v16, v0;
	v2 =	vmul.f32 v2, v11  }
0xfa: {  	v11 =	vld [tilespmem:s15+$0xFFFFFFF0];
	v1 =	vsub.f32 v12, v1;
	v3 =	vmul.f32 v3, v14  }
0xfb: {  	v12 =	vld [tilespmem:s28+$0x0];
	v0 =	vadd.f32 v0, v4;
	v2 =	vsub.f32 v9, v2  }
0xfc: {  	s16 =	sadd.s32 $0x50, s16;
	v4 =	vld [tilespmem:s15+$0x0];
	v1 =	vadd.f32 v1, v5;
	v3 =	vsub.f32 v8, v3  }
0xfd: {  	v5 =	vld [tilespmem:s16+$0x20];
	[tilespmem:s11+$0xFFFFFFE0] =	vst v0;
	v0 =	vadd.f32 v2, v6  }
0xfe: {  	v2 =	vld.idx.msk [tilespmem:v19+s9+$0x0], $0xffff;
	[tilespmem:s11+$0xFFFFFFF0] =	vst v1;
	v1 =	vadd.f32 v3, v7  }
0xff: {  	v3 =	vld.idx.msk [tilespmem:v17+s9+$0x0], $0xffff;
	[tilespmem:s11+$0x0] =	vst v0  }
0x100: {  	s17 =	sadd.s32 $0x50, s17;
	v6 =	vld [tilespmem:s28+$0x10];
	[tilespmem:s11+$0x10] =	vst v1  }
0x101: {  	s20 =	sadd.s32 $0x50, s20;
	v0 =	vld [tilespmem:s17+$0x20]  }
0x102: {  	v1 =	vld [tilespmem:s20+$0x20]  }
0x103: {  	v7 =	vld [tilespmem:s15+$0x10]  }
0x104: {  	s26 =	sadd.s32 $0x50, s26;
	v9 =	vmul.f32 v5, v5;
	v8 =	vld [tilespmem:s28+$0xFFFFFFE0]  }
0x105: {  	v15 =	vand.u32 $0xFFFF0000, v2;
	v16 =	vand.u32 $0xFFFF0000, v3;
	v14 =	vld [tilespmem:s26+$0x20]  }
0x106: {  	v5 =	vmul.f32 v9, v5;
	v15 =	vsub.f32 v16, v15;
	v17 =	vld [tilespmem:s16+$0xFFFFFFE0];
	v0 =	vmul.f32 $3.255261390e-09, v0  }
0x107: {  	v9 =	vld [tilespmem:s16+$0xFFFFFFF0];
	v1 =	vmul.f32 $1.000000010e-01, v1  }
0x108: {  	v5 =	vmul.f32 $4.444444310e-25, v5;
	v16 =	vld [tilespmem:s16+$0x0];
	v0 =	vmul.f32 v15, v0  }
0x109: {  	v15 =	vld [tilespmem:s16+$0x10]  }
0x10a: {  	v13 =	vld.idx.msk [tilespmem:v13+s9+$0x0], $0xffff;
	v0 =	vadd.f32 v0, v1;
	v1 =	vmul.f32 v5, v14  }
0x10b: {  	v2 =	vshll.u32 v2, $0x10;
	v3 =	vshll.u32 v3, $0x10;
	v5 =	vmul.f32 v17, v17;
	v10 =	vld.idx.msk [tilespmem:v10+s9+$0x0], $0xffff  }
0x10c: {  	v2 =	vadd.f32 v3, v2;
	v8 =	vld.idx.msk [tilespmem:v8+s9+$0x0], $0xffff;
	v14 =	vmul.f32 v9, v9;
	v0 =	vsub.f32 v0, v1  }
0x10d: {  	v1 =	vmul.f32 v5, v17;
	v5 =	vld.idx.msk [tilespmem:v11+s9+$0x0], $0xffff;
	v3 =	vmul.f32 v16, v16  }
0x10e: {  	v9 =	vmul.f32 v14, v9;
	v11 =	vld.idx.msk [tilespmem:v12+s9+$0x0], $0xffff;
	v12 =	vmul.f32 v15, v15;
	v2 =	vadd.f32 v0, v2  }
0x10f: {  	s11 =	sadd.s32 $0x50, s11;
	v0 =	vmul.f32 $4.444444310e-25, v1;
	v4 =	vld.idx.msk [tilespmem:v4+s9+$0x0], $0xffff;
	v3 =	vmul.f32 v3, v16  }
0x110: {  	v14 =	vand.u32 $0xFFFF0000, v13;
	v1 =	vmul.f32 $4.444444310e-25, v9;
	v6 =	vld.idx.msk [tilespmem:v6+s9+$0x0], $0xffff;
	v9 =	vmul.f32 v12, v15;
	[tilespmem:s11+$0x20] =	vst v2  }
0x111: {  	v12 =	vshll.u32 v13, $0x10;
	v13 =	vand.u32 $0xFFFF0000, v10;
	v2 =	vmul.f32 $4.444444310e-25, v3;
	v7 =	vld.idx.msk [tilespmem:v7+s9+$0x0], $0xffff  }
0x112: {  	v16 =	vand.u32 $0xFFFF0000, v8;
	v8 =	vshll.u32 v8, $0x10;
	v15 =	vld [tilespmem:s17+$0xFFFFFFE0];
	v3 =	vmul.f32 $4.444444310e-25, v9  }
0x113: {  	v10 =	vshll.u32 v10, $0x10;
	v9 =	vsub.f32 v14, v16;
	v16 =	vand.u32 $0xFFFF0000, v5;
	v14 =	vld [tilespmem:s17+$0xFFFFFFF0]  }
0x114: {  	v5 =	vshll.u32 v5, $0x10;
	v13 =	vsub.f32 v16, v13;
	v17 =	vand.u32 $0xFFFF0000, v11;
	v16 =	vld [tilespmem:s17+$0x0]  }
0x115: {  	v11 =	vshll.u32 v11, $0x10;
	v18 =	vand.u32 $0xFFFF0000, v4;
	v19 =	vshll.u32 v4, $0x10;
	v20 =	vld [tilespmem:s17+$0x10]  }
0x116: {  	v17 =	vsub.f32 v18, v17;
	v18 =	vand.u32 $0xFFFF0000, v6;
	v22 =	vshll.u32 v6, $0x10;
	v21 =	vld [tilespmem:s20+$0xFFFFFFE0]  }
0x117: {  	v23 =	vand.u32 $0xFFFF0000, v7;
	v7 =	vshll.u32 v7, $0x10;
	v6 =	vmul.f32 $3.255261390e-09, v15;
	v15 =	vld [tilespmem:s20+$0xFFFFFFF0]  }
0x118: {  	v4 =	vadd.f32 v12, v8;
	v18 =	vsub.f32 v23, v18;
	v12 =	vmul.f32 $3.255261390e-09, v14;
	v14 =	vld [tilespmem:s20+$0x0]  }
.Ltmp1:
0x119: {  	v5 =	vadd.f32 v5, v10;
	v23 =	vmul.f32 v9, v6;
	v16 =	vmul.f32 $3.255261390e-09, v16;
	v8 =	vld [tilespmem:s20+$0x10];
	(pc) =	sbr.rel @p0 .LBB2_5-.Ltmp1, $4  }
0x11a: {  	v6 =	vadd.f32 v19, v11;
	v9 =	vld [tilespmem:s26+$0xFFFFFFE0];
	v12 =	vmul.f32 v13, v12;
	v19 =	vmul.f32 $3.255261390e-09, v20  }
0x11b: {  	v7 =	vadd.f32 v7, v22;
	v20 =	vmul.f32 $1.000000010e-01, v21;
	v10 =	vld [tilespmem:s26+$0xFFFFFFF0];
	v13 =	vmul.f32 v17, v16  }
0x11c: {  	v17 =	vmul.f32 $1.000000010e-01, v15;
	v11 =	vld [tilespmem:s26+$0x0];
	v15 =	vmul.f32 v18, v19  }
0x11d: {  	s28 =	sadd.s32 $0x50, s28;
	v16 =	vadd.f32 v23, v20;
	v18 =	vmul.f32 $1.000000010e-01, v14;
	v14 =	vld [tilespmem:s26+$0x10]  }
0x11e: {  	_ = 	snop  }
0x11f: {  	v0 =	vmul.f32 v0, v9  }
0x120: {  	v60 =	vadd.f32 v12, v17;
	v8 =	vmul.f32 $1.000000010e-01, v8;
	v1 =	vmul.f32 v1, v10  }
0x121: {  	v61 =	vadd.f32 v13, v18;
	v0 =	vsub.f32 v16, v0;
	v2 =	vmul.f32 v2, v11  }
0x122: {  	v8 =	vadd.f32 v15, v8;
	v1 =	vsub.f32 v60, v1;
	v3 =	vmul.f32 v3, v14  }
0x123: {  	s13 =	sadd.s32 $0x1, s13;
	v0 =	vadd.f32 v0, v4;
	v2 =	vsub.f32 v61, v2  }
0x124: {  	p0 =	sne.s32 s13, $0x19;
	v1 =	vadd.f32 v1, v5;
	v3 =	vsub.f32 v8, v3  }
.Ltmp2:
0x125: {  	[tilespmem:s11+$0xFFFFFFE0] =	vst v0;
	v62 =	vadd.f32 v2, v6;
	(pc) =	sbr.rel @p0 .LBB2_2-.Ltmp2, $4  }
0x126: {  	[tilespmem:s11+$0xFFFFFFF0] =	vst v1;
	v63 =	vadd.f32 v3, v7  }
0x127: {  	[tilespmem:s11+$0x0] =	vst v62  }
0x128: {  	s30 =	sadd.s32 s8, s14;
	[tilespmem:s11+$0x10] =	vst v63  }
0x129: {  	[hbm4b:s30+s9] =	stream.linear.scatter [tilespmem:s25], [sflag:$0x4], $0x7D0, $0x38;
	[tilespmem:$0x1F700] =	vst v63  }
0x12a: {  	s11 =	simm.s32 $0x3  }
0x12b: {  	_ =	swait.ge [sflag:s11], $0x7D0  }
0x12c: {  	[sflag:s11] =	ssyncset.done $0x0  }
0x12d: {  	s12 =	simm.s32 $0x4;
	[sflag:s11] =	ssyncadd.s32 $0xFFFFF830  }
0x12e: {  	_ =	swait.ge [sflag:s12], $0x7D0  }
0x12f: {  	s13 =	rddreg [dreg:$0x11]  }
0x130: {  	s30 =	rddreg [dreg:$0x10];
	s13 =	sadd.s32 $0x1, s13  }
0x131: {  	p0 =	sne.s32 s13, s30  }
.Ltmp3:
0x132: {  	_ = 	snop;
	(pc) =	sbr.rel @p0 .LBB2_1-.Ltmp3, $3  }
0x133: {  	_ =	sdelay $0x1  }
0x134: {  	[sflag:s12] =	ssyncset.done $0x0  }
0x135: {  	[sflag:s12] =	ssyncadd.s32 $0xFFFFF830  }
0x136: {  	_ =	sfence.sel $0x180000  }
0x137: {  	[bflag:$0x0] =	sbarrier.arrive $0xFFFF  }
0x138: {  	_ =	strace $0x9000004A  }
0x139: {  	s0 =	stileid.u32;
	[bflag:$0x2] =	sbarrier.arrive $0xFFFF  }
0x13a: {  	p0 =	sne.s32 s0, $0x0;
	s0 =	rddreg [dreg:$0x8]  }
0x13b: {  	s0 =	sadd.s32 @!p0 $0x100000, s0  }
0x13c: {  	[sflag:s0] =	ssyncadd.tile.s32 @!p0 $0x1;
	_ =	shalt  }
.Lfunc_end2:
_tile_overlayer_lowered:
.L_overlay_start_2:
0x13d: {  	(tag) =	ssettag $0x2  }
0x13e: {  	s0 =	rddreg [dreg:$0x0];
	s2 =	stileid.u32  }
0x13f: {  	s1 =	rddreg [dreg:$0x1];
	p0 =	sne.s32 s2, $0x0  }
0x140: {  	s3 =	rddreg [dreg:$0x2];
	[bflag:$0x3] =	sbarrier.arrive $0xFFFF;
	s2 =	simm.s32 @!p0 $0x1C05  }
0x141: {  	[timem:s3], [sflag:s2] =	dma.local @!p0 [hbm:s0], s1  }
0x142: {  	s0 =	simm.s32 @!p0 $0x5  }
0x143: {  	_ =	swait.ge @!p0 [sflag:s0], s1  }
0x144: {  	s1 =	ssub.s32 @!p0 $0x0, s1;
	[sflag:s0] =	ssyncset.done @!p0 $0x0  }
0x145: {  	[sflag:s0] =	ssyncadd.s32 @!p0 s1  }
0x146: {  	[bflag:$0x3] =	sbarrier.arrive $0xFFFF  }
0x147: {  	_ =	shalt  }

</sc_bundles>
